<compile_context>
chip_gen: v7x
topology: tpu7x:2x2x1
jax: 0.10.2.dev20260603
libtpu: 0.0.44.dev20260713+nightly
codegen_flags: <defaults>
</compile_context>

<pallas_src>
import functools

import jax
import jax.numpy as jnp
from jax import lax
from jax.experimental import pallas as pl
from jax.experimental.pallas import tpu as pltpu
from jax.experimental.pallas import tpu_sc as plsc

N_U = 2048
N_I = 2048
D = 64
EPS = 1e-7

N_EDGE = 32768
N_TILES = 16
EPT = N_EDGE // N_TILES
CHUNK = (N_U // 8) * N_I
ZBLK = CHUNK // N_TILES
LANES = 16
N_PASS = N_U * N_I // CHUNK // 2


def _sc_build_body(rows_h, cols_h, zeros_h, out_h,
                   r_v, c_v, flat_v, idx_v, ones_v, z_v, stage_v, acc):
    cid = lax.axis_index("c")
    sid = lax.axis_index("s")

    base = sid * EPT
    pltpu.sync_copy(rows_h.at[pl.ds(base, EPT)], r_v)
    pltpu.sync_copy(cols_h.at[pl.ds(base, EPT)], c_v)
    pltpu.sync_copy(zeros_h.at[pl.ds(0, ZBLK)], z_v)
    pltpu.sync_copy(zeros_h.at[pl.ds(ZBLK, EPT)], ones_v)

    def flat_body(i, _):
        rr = r_v[pl.ds(i * LANES, LANES)]
        cc = c_v[pl.ds(i * LANES, LANES)]
        flat_v[pl.ds(i * LANES, LANES)] = rr * N_I + cc
        return 0

    lax.fori_loop(0, EPT // LANES, flat_body, 0)

    for p in range(N_PASS):
        chunk_base = (cid * N_PASS + p) * CHUNK
        pltpu.sync_copy(z_v, acc.at[pl.ds(sid * ZBLK, ZBLK)])
        plsc.subcore_barrier()

        def idx_body(i, _):
            fl = flat_v[pl.ds(i * LANES, LANES)]
            loc = fl - chunk_base
            valid = (loc >= 0) & (loc < CHUNK)
            trash = CHUNK + sid * EPT + i * LANES + lax.iota(jnp.int32, 16)
            idx_v[pl.ds(i * LANES, LANES)] = jnp.where(valid, loc, trash)
            return 0

        lax.fori_loop(0, EPT // LANES, idx_body, 0)
        pltpu.sync_copy(ones_v, acc.at[idx_v], add=True)
        plsc.subcore_barrier()
        pltpu.sync_copy(acc.at[pl.ds(sid * ZBLK, ZBLK)], stage_v)
        pltpu.sync_copy(stage_v, out_h.at[pl.ds(chunk_base + sid * ZBLK,
                                                ZBLK)])
        plsc.subcore_barrier()


@jax.jit
def _sc_build(rows, cols):
    zo = jnp.zeros((ZBLK + EPT,), jnp.float32).at[ZBLK:].set(1.0)
    out = jax.ShapeDtypeStruct((N_U * N_I,), jnp.float32)
    f = pl.kernel(
        _sc_build_body,
        out_type=out,
        mesh=plsc.VectorSubcoreMesh(core_axis_name="c", subcore_axis_name="s",
                                    num_cores=2, num_subcores=16),
        scratch_types=[
            pltpu.VMEM((EPT,), jnp.int32),
            pltpu.VMEM((EPT,), jnp.int32),
            pltpu.VMEM((EPT,), jnp.int32),
            pltpu.VMEM((EPT,), jnp.int32),
            pltpu.VMEM((EPT,), jnp.float32),
            pltpu.VMEM((ZBLK,), jnp.float32),
            pltpu.VMEM((ZBLK,), jnp.float32),
            pltpu.VMEM_SHARED((CHUNK + N_TILES * EPT,), jnp.float32),
        ],
    )
    return f(rows, cols, zo)


def _mm(A, B):
    return jax.lax.dot_general(A, B.astype(A.dtype), (((1,), (0,)), ((), ())),
                               preferred_element_type=jnp.float32)


def _mmT(A, B):
    return jax.lax.dot_general(A, B.astype(A.dtype), (((0,), (0,)), ((), ())),
                               preferred_element_type=jnp.float32)


def _dhcf_body(H_ref, u_ref, i_ref, W0_ref, b0_ref, W1_ref, b1_ref,
               u1_ref, u2_ref, i1_ref, i2_ref):
    H = H_ref[...]

    rs = jnp.sum(H.astype(jnp.float32), axis=1, keepdims=True)
    ones_c = jnp.ones((N_U, 1), jnp.float32)
    q = _mmT(H, jnp.concatenate([rs, ones_c], axis=1))
    p0 = q[:, 0:1]
    cs = q[:, 1:2]
    gq = _mm(H, q)
    Grs = gq[:, 0:1]
    Gcs = _mmT(H, gq[:, 1:2])

    dv_u = jax.lax.rsqrt(rs + Grs + EPS)
    de1_u = 1.0 / (cs + EPS)
    de2_u = 1.0 / (Gcs + EPS)
    dv_i = jax.lax.rsqrt(cs + Gcs + EPS)
    de1_i = 1.0 / (rs + EPS)
    de2_i = 1.0 / (Grs + EPS)

    U = u_ref[...]
    I = i_ref[...]
    W0 = W0_ref[...]
    b0 = b0_ref[...]
    W1 = W1_ref[...]
    b1 = b1_ref[...]

    v1 = _mmT(H, dv_u * U)
    r = _mm(H, jnp.concatenate([v1, dv_i * I], axis=1))
    v2, w1 = r[:, :D], r[:, D:]
    r = _mmT(H, jnp.concatenate([v2, w1], axis=1))
    v3, w2 = r[:, :D], r[:, D:]
    r = _mm(H, jnp.concatenate([de2_u * v3, w2], axis=1))
    v4, w3 = r[:, :D], r[:, D:]
    r = _mmT(H, jnp.concatenate([v4, de2_i * w3], axis=1))
    v5, w4 = r[:, :D], r[:, D:]
    r = _mm(H, jnp.concatenate([de1_u * v1 + v5, w4], axis=1))
    v6, w5 = r[:, :D], r[:, D:]
    U1 = _mm(dv_u * v6 + U, W0) + b0
    u1_ref[...] = U1
    r = _mmT(H, jnp.concatenate([dv_u * U1, de1_i * w1 + w5], axis=1))
    a2, w6 = r[:, :D], r[:, D:]
    I1 = _mm(dv_i * w6 + I, W0) + b0
    i1_ref[...] = I1
    r = _mm(H, jnp.concatenate([a2, dv_i * I1], axis=1))
    v2b, w1b = r[:, :D], r[:, D:]
    r = _mmT(H, jnp.concatenate([v2b, w1b], axis=1))
    v3b, w2b = r[:, :D], r[:, D:]
    r = _mm(H, jnp.concatenate([de2_u * v3b, w2b], axis=1))
    v4b, w3b = r[:, :D], r[:, D:]
    r = _mmT(H, jnp.concatenate([v4b, de2_i * w3b], axis=1))
    v5b, w4b = r[:, :D], r[:, D:]
    r = _mm(H, jnp.concatenate([de1_u * a2 + v5b, w4b], axis=1))
    v6b, w5b = r[:, :D], r[:, D:]
    u2_ref[...] = _mm(dv_u * v6b + U1, W1) + b1
    w6b = _mmT(H, de1_i * w1b + w5b)
    i2_ref[...] = _mm(dv_i * w6b + I1, W1) + b1


@functools.partial(jax.jit, static_argnames=("interpret",))
def _dhcf_tc(H, user_emb, item_emb, W0, b0, W1, b1, interpret=False):
    out = jax.ShapeDtypeStruct((N_U, D), jnp.float32)
    return pl.pallas_call(
        _dhcf_body,
        out_shape=(out, out, out, out),
        interpret=interpret,
    )(H, user_emb, item_emb, W0, b0.reshape(1, D), W1, b1.reshape(1, D))


def kernel(user_emb, item_emb, W0, b0, W1, b1, rows, cols):
    H = _sc_build(rows, cols).reshape(N_U, N_I).astype(jnp.bfloat16)
    u1, u2, i1, i2 = _dhcf_tc(H, user_emb, item_emb, W0, b0, W1, b1)
    U_out = jnp.concatenate([user_emb, u1, u2], axis=1)
    I_out = jnp.concatenate([item_emb, i1, i2], axis=1)
    return (U_out, I_out)

# --- scband reference (transcript-rebuilt; emitter-appended) ---
"""Pipeline reference for scband-dhcf-71897752535221 (READ-ONLY COPY).

The authoritative reference and input builder live on the scoring server;
editing this copy changes nothing except your own understanding.
"""

import jax, jax.numpy as jnp
import numpy as np

NUM_USER = 2048
NUM_ITEM = 2048
DIM_E = 64
N_LAYERS = 2
N_EDGES = 32768


def setup_inputs(seed: int = 0) -> dict:
    key = jax.random.key(seed)
    ks = jax.random.split(key, 8)
    rows = jax.random.randint(ks[0], (N_EDGES,), 0, NUM_USER, dtype=jnp.int32)
    cols = jax.random.randint(ks[1], (N_EDGES,), 0, NUM_ITEM, dtype=jnp.int32)
    scale_e = (6.0 / (NUM_USER + DIM_E)) ** 0.5
    user_emb = jax.random.uniform(ks[2], (NUM_USER, DIM_E), minval=-scale_e, maxval=scale_e, dtype=jnp.float32)
    item_emb = jax.random.uniform(ks[3], (NUM_ITEM, DIM_E), minval=-scale_e, maxval=scale_e, dtype=jnp.float32)
    scale_w = (6.0 / (DIM_E + DIM_E)) ** 0.5
    W0 = jax.random.uniform(ks[4], (DIM_E, DIM_E), minval=-scale_w, maxval=scale_w, dtype=jnp.float32)
    b0 = jnp.zeros((DIM_E,), jnp.float32)
    W1 = jax.random.uniform(ks[5], (DIM_E, DIM_E), minval=-scale_w, maxval=scale_w, dtype=jnp.float32)
    b1 = jnp.zeros((DIM_E,), jnp.float32)
    return {"user_emb": user_emb, "item_emb": item_emb, "W0": W0, "b0": b0, "W1": W1, "b1": b1, "rows": rows, "cols": cols}


def _compute_matrix(H, X):
    # DJconv.compute_matrix: Hu = [H, H @ (H^T H)]; M = Du_v Hu Du_e Du_e Hu^T Du_v X + X
    HTH = H.T @ H
    Hu = jnp.concatenate([H, H @ HTH], axis=1)
    row_sum = jnp.sum(Hu, axis=1)
    col_sum = jnp.sum(Hu, axis=0)
    dv = jnp.power(row_sum + 1e-07, -0.5)
    de = jnp.power(col_sum + 1e-07, -0.5)
    # diag matmuls realized as broadcast scaling (same math as multi_dot with diagonal matrices)
    t = Hu.T @ (dv[:, None] * X)
    t = (de * de)[:, None] * t
    M = dv[:, None] * (Hu @ t) + X
    return M


def reference(user_emb, item_emb, W0, b0, W1, b1, rows, cols):
    # Build interaction matrix H from edge list (duplicate edges accumulate, matching
    # coalesced sparse_coo_tensor with value 1 per edge).
    H = jnp.zeros((NUM_USER, NUM_ITEM), dtype=jnp.float32).at[rows, cols].add(1.0)
    U = user_emb
    I = item_emb
    U_out = U
    I_out = I
    for W, b in ((W0, b0), (W1, b1)):
        # dropout with p=0.0 / eval mode -> identity
        M_u = _compute_matrix(H, U)
        M_i = _compute_matrix(H.T, I)
        U = M_u @ W + b
        I = M_i @ W + b
        U_out = jnp.concatenate([U_out, U], axis=1)
        I_out = jnp.concatenate([I_out, I], axis=1)
    return (U_out, I_out)

if __name__ == "__main__":
    import jax
    _d = setup_inputs()
    print(jax.jit(kernel)(*tuple(_d.values())))

</pallas_src>

<mosaic_0001>
#map = affine_map<(d0, d1) -> (0)>
module attributes {stable_mosaic.version = 14 : i64} {
  func.func @_sc_build_body(%arg0: i32, %arg1: i32, %arg2: memref<32768xi32, #tpu.memory_space<hbm>>, %arg3: memref<32768xi32, #tpu.memory_space<hbm>>, %arg4: memref<34816xf32, #tpu.memory_space<hbm>>, %arg5: memref<4194304xf32, #tpu.memory_space<hbm>>, %arg6: memref<2048xi32, #tpu.memory_space<vmem>>, %arg7: memref<2048xi32, #tpu.memory_space<vmem>>, %arg8: memref<2048xi32, #tpu.memory_space<vmem>>, %arg9: memref<2048xi32, #tpu.memory_space<vmem>>, %arg10: memref<2048xf32, #tpu.memory_space<vmem>>, %arg11: memref<32768xf32, #tpu.memory_space<vmem>>, %arg12: memref<32768xf32, #tpu.memory_space<vmem>>, %arg13: memref<557056xf32, #tpu.memory_space<vmem_shared>>) attributes {dimension_semantics = [#tpu.dimension_semantics<core_parallel>, #tpu.dimension_semantics<subcore_parallel>], iteration_bounds = array<i64: 2, 16>, scalar_prefetch = 0 : i64, scratch_operands = 8 : i64, tpu.core_type = #tpu.core_type<sc_vector_subcore>, window_params = [{transform_indices = #map}, {transform_indices = #map}, {transform_indices = #map}, {transform_indices = #map}]} {
    %mul3A = arith.constant 2048 : i32
    %mul3A_0 = arith.muli %arg1, %mul3A : i32
    "tpu.region"() ({
      %run_scoped3A = tpu.sem_alloc : memref<!tpu.dma_semaphore, #tpu.memory_space<semaphore_mem>>
      %dma_start3A = tpu.memref_slice %arg2[%mul3A_0] : memref<32768xi32, #tpu.memory_space<hbm>> -> memref<2048xi32, #tpu.memory_space<hbm>>
      %dma_start3A_97 = tpu.memref_slice %arg2[%mul3A_0] : memref<32768xi32, #tpu.memory_space<hbm>> -> memref<2048xi32, #tpu.memory_space<hbm>>
      tpu.enqueue_dma source(%dma_start3A_97 : memref<2048xi32, #tpu.memory_space<hbm>>) target(%arg6 : memref<2048xi32, #tpu.memory_space<vmem>>) target_semaphore(%run_scoped3A : memref<!tpu.dma_semaphore, #tpu.memory_space<semaphore_mem>>)
      %dma_wait3A = tpu.memref_slice %arg2[%mul3A_0] : memref<32768xi32, #tpu.memory_space<hbm>> -> memref<2048xi32, #tpu.memory_space<hbm>>
      %dma_wait3A_98 = tpu.memref_slice %arg2[%mul3A_0] : memref<32768xi32, #tpu.memory_space<hbm>> -> memref<2048xi32, #tpu.memory_space<hbm>>
      tpu.wait_dma2 semaphore(%run_scoped3A : memref<!tpu.dma_semaphore, #tpu.memory_space<semaphore_mem>>) src(%dma_wait3A_98 : memref<2048xi32, #tpu.memory_space<hbm>>) dst(%arg6 : memref<2048xi32, #tpu.memory_space<vmem>>)
      tpu.yield
    }) : () -> ()
    "tpu.region"() ({
      %run_scoped3A = tpu.sem_alloc : memref<!tpu.dma_semaphore, #tpu.memory_space<semaphore_mem>>
      %dma_start3A = tpu.memref_slice %arg3[%mul3A_0] : memref<32768xi32, #tpu.memory_space<hbm>> -> memref<2048xi32, #tpu.memory_space<hbm>>
      %dma_start3A_97 = tpu.memref_slice %arg3[%mul3A_0] : memref<32768xi32, #tpu.memory_space<hbm>> -> memref<2048xi32, #tpu.memory_space<hbm>>
      tpu.enqueue_dma source(%dma_start3A_97 : memref<2048xi32, #tpu.memory_space<hbm>>) target(%arg7 : memref<2048xi32, #tpu.memory_space<vmem>>) target_semaphore(%run_scoped3A : memref<!tpu.dma_semaphore, #tpu.memory_space<semaphore_mem>>)
      %dma_wait3A = tpu.memref_slice %arg3[%mul3A_0] : memref<32768xi32, #tpu.memory_space<hbm>> -> memref<2048xi32, #tpu.memory_space<hbm>>
      %dma_wait3A_98 = tpu.memref_slice %arg3[%mul3A_0] : memref<32768xi32, #tpu.memory_space<hbm>> -> memref<2048xi32, #tpu.memory_space<hbm>>
      tpu.wait_dma2 semaphore(%run_scoped3A : memref<!tpu.dma_semaphore, #tpu.memory_space<semaphore_mem>>) src(%dma_wait3A_98 : memref<2048xi32, #tpu.memory_space<hbm>>) dst(%arg7 : memref<2048xi32, #tpu.memory_space<vmem>>)
      tpu.yield
    }) : () -> ()
    "tpu.region"() ({
      %run_scoped3A = tpu.sem_alloc : memref<!tpu.dma_semaphore, #tpu.memory_space<semaphore_mem>>
      %dma_start3A = arith.constant 0 : i32
      %dma_start3A_97 = tpu.memref_slice %arg4[%dma_start3A] : memref<34816xf32, #tpu.memory_space<hbm>> -> memref<32768xf32, #tpu.memory_space<hbm>>
      %dma_start3A_98 = arith.constant 0 : i32
      %dma_start3A_99 = tpu.memref_slice %arg4[%dma_start3A_98] : memref<34816xf32, #tpu.memory_space<hbm>> -> memref<32768xf32, #tpu.memory_space<hbm>>
      tpu.enqueue_dma source(%dma_start3A_99 : memref<32768xf32, #tpu.memory_space<hbm>>) target(%arg11 : memref<32768xf32, #tpu.memory_space<vmem>>) target_semaphore(%run_scoped3A : memref<!tpu.dma_semaphore, #tpu.memory_space<semaphore_mem>>)
      %dma_wait3A = arith.constant 0 : i32
      %dma_wait3A_100 = tpu.memref_slice %arg4[%dma_wait3A] : memref<34816xf32, #tpu.memory_space<hbm>> -> memref<32768xf32, #tpu.memory_space<hbm>>
      %dma_wait3A_101 = arith.constant 0 : i32
      %dma_wait3A_102 = tpu.memref_slice %arg4[%dma_wait3A_101] : memref<34816xf32, #tpu.memory_space<hbm>> -> memref<32768xf32, #tpu.memory_space<hbm>>
      tpu.wait_dma2 semaphore(%run_scoped3A : memref<!tpu.dma_semaphore, #tpu.memory_space<semaphore_mem>>) src(%dma_wait3A_102 : memref<32768xf32, #tpu.memory_space<hbm>>) dst(%arg11 : memref<32768xf32, #tpu.memory_space<vmem>>)
      tpu.yield
    }) : () -> ()
    "tpu.region"() ({
      %run_scoped3A = tpu.sem_alloc : memref<!tpu.dma_semaphore, #tpu.memory_space<semaphore_mem>>
      %dma_start3A = arith.constant 32768 : i32
      %dma_start3A_97 = tpu.memref_slice %arg4[%dma_start3A] : memref<34816xf32, #tpu.memory_space<hbm>> -> memref<2048xf32, #tpu.memory_space<hbm>>
      %dma_start3A_98 = arith.constant 32768 : i32
      %dma_start3A_99 = tpu.memref_slice %arg4[%dma_start3A_98] : memref<34816xf32, #tpu.memory_space<hbm>> -> memref<2048xf32, #tpu.memory_space<hbm>>
      tpu.enqueue_dma source(%dma_start3A_99 : memref<2048xf32, #tpu.memory_space<hbm>>) target(%arg10 : memref<2048xf32, #tpu.memory_space<vmem>>) target_semaphore(%run_scoped3A : memref<!tpu.dma_semaphore, #tpu.memory_space<semaphore_mem>>)
      %dma_wait3A = arith.constant 32768 : i32
      %dma_wait3A_100 = tpu.memref_slice %arg4[%dma_wait3A] : memref<34816xf32, #tpu.memory_space<hbm>> -> memref<2048xf32, #tpu.memory_space<hbm>>
      %dma_wait3A_101 = arith.constant 32768 : i32
      %dma_wait3A_102 = tpu.memref_slice %arg4[%dma_wait3A_101] : memref<34816xf32, #tpu.memory_space<hbm>> -> memref<2048xf32, #tpu.memory_space<hbm>>
      tpu.wait_dma2 semaphore(%run_scoped3A : memref<!tpu.dma_semaphore, #tpu.memory_space<semaphore_mem>>) src(%dma_wait3A_102 : memref<2048xf32, #tpu.memory_space<hbm>>) dst(%arg10 : memref<2048xf32, #tpu.memory_space<vmem>>)
      tpu.yield
    }) : () -> ()
    %scan3A = arith.constant 0 : i32
    %scan3A_1 = arith.constant 0 : i32
    %scan3A_2 = arith.constant 128 : i32
    %scan3A_3 = arith.addi %scan3A_1, %scan3A_2 : i32
    %scan3A_4 = arith.constant 1 : i32
    %scan3A_5 = scf.for %scan3A_97 = %scan3A_1 to %scan3A_3 step %scan3A_4 iter_args(%scan3A_98 = %scan3A) -> (i32)  : i32 {
      %mul3A_99 = arith.constant 16 : i32
      %mul3A_100 = arith.muli %scan3A_97, %mul3A_99 : i32
      %get3A = arith.index_cast %mul3A_100 : i32 to index
      %get3A_101 = tpu.vector_load %arg6[%get3A] {strides = array<i32>} : memref<2048xi32, #tpu.memory_space<vmem>>, vector<16xi32>,
      %get3A_102 = vector.shape_cast %get3A_101 : vector<16xi32> to vector<16xi32>
      %mul3A_103 = arith.constant 16 : i32
      %mul3A_104 = arith.muli %scan3A_97, %mul3A_103 : i32
      %get3A_105 = arith.index_cast %mul3A_104 : i32 to index
      %get3A_106 = tpu.vector_load %arg7[%get3A_105] {strides = array<i32>} : memref<2048xi32, #tpu.memory_space<vmem>>, vector<16xi32>,
      %get3A_107 = vector.shape_cast %get3A_106 : vector<16xi32> to vector<16xi32>
      %mul3A_108 = arith.constant 2048 : i32
      %mul3A_109 = vector.broadcast %mul3A_108 : i32 to vector<16xi32>
      %mul3A_110 = arith.muli %get3A_102, %mul3A_109 : vector<16xi32>
      %add3A_111 = arith.addi %mul3A_110, %get3A_107 : vector<16xi32>
      %mul3A_112 = arith.constant 16 : i32
      %mul3A_113 = arith.muli %scan3A_97, %mul3A_112 : i32
      %swap3A = arith.index_cast %mul3A_113 : i32 to index
      %swap3A_114 = tpu.vector_load %arg8[%swap3A] {strides = array<i32>} : memref<2048xi32, #tpu.memory_space<vmem>>, vector<16xi32>,
      %swap3A_115 = vector.shape_cast %swap3A_114 : vector<16xi32> to vector<16xi32>
      %swap3A_116 = vector.shape_cast %add3A_111 : vector<16xi32> to vector<16xi32>
      tpu.vector_store %arg8[%swap3A], %swap3A_116 {strides = array<i32>} : memref<2048xi32, #tpu.memory_space<vmem>>, vector<16xi32>,
      %scan3A_117 = arith.constant 0 : i32
      scf.yield %scan3A_117 : i32
    }
    %scan3A_6 = arith.constant 128 : i32
    %mul3A_7 = arith.constant 4 : i32
    %mul3A_8 = arith.muli %arg0, %mul3A_7 : i32
    %add3A = arith.constant 0 : i32
    %add3A_9 = arith.addi %mul3A_8, %add3A : i32
    %mul3A_10 = arith.constant 524288 : i32
    %mul3A_11 = arith.muli %add3A_9, %mul3A_10 : i32
    %mul3A_12 = arith.constant 32768 : i32
    %mul3A_13 = arith.muli %arg1, %mul3A_12 : i32
    "tpu.region"() ({
      %run_scoped3A = tpu.sem_alloc : memref<!tpu.dma_semaphore, #tpu.memory_space<semaphore_mem>>
      %dma_start3A = tpu.memref_slice %arg13[%mul3A_13] : memref<557056xf32, #tpu.memory_space<vmem_shared>> -> memref<32768xf32, #tpu.memory_space<vmem_shared>>
      %dma_start3A_97 = tpu.memref_slice %arg13[%mul3A_13] : memref<557056xf32, #tpu.memory_space<vmem_shared>> -> memref<32768xf32, #tpu.memory_space<vmem_shared>>
      tpu.enqueue_dma source(%arg11 : memref<32768xf32, #tpu.memory_space<vmem>>) target(%dma_start3A_97 : memref<32768xf32, #tpu.memory_space<vmem_shared>>) target_semaphore(%run_scoped3A : memref<!tpu.dma_semaphore, #tpu.memory_space<semaphore_mem>>)
      %dma_wait3A = tpu.memref_slice %arg13[%mul3A_13] : memref<557056xf32, #tpu.memory_space<vmem_shared>> -> memref<32768xf32, #tpu.memory_space<vmem_shared>>
      %dma_wait3A_98 = tpu.memref_slice %arg13[%mul3A_13] : memref<557056xf32, #tpu.memory_space<vmem_shared>> -> memref<32768xf32, #tpu.memory_space<vmem_shared>>
      tpu.wait_dma2 semaphore(%run_scoped3A : memref<!tpu.dma_semaphore, #tpu.memory_space<semaphore_mem>>) src(%arg11 : memref<32768xf32, #tpu.memory_space<vmem>>) dst(%dma_wait3A_98 : memref<32768xf32, #tpu.memory_space<vmem_shared>>)
      tpu.yield
    }) : () -> ()
    %barrier3A = arith.constant 0 : index
    tpu.barrier barrier_id(%barrier3A)
    %scan3A_14 = arith.constant 0 : i32
    %scan3A_15 = arith.constant 0 : i32
    %scan3A_16 = arith.constant 128 : i32
    %scan3A_17 = arith.addi %scan3A_15, %scan3A_16 : i32
    %scan3A_18 = arith.constant 1 : i32
    %scan3A_19 = scf.for %scan3A_97 = %scan3A_15 to %scan3A_17 step %scan3A_18 iter_args(%scan3A_98 = %scan3A_14) -> (i32)  : i32 {
      %mul3A_99 = arith.constant 16 : i32
      %mul3A_100 = arith.muli %scan3A_97, %mul3A_99 : i32
      %get3A = arith.index_cast %mul3A_100 : i32 to index
      %get3A_101 = tpu.vector_load %arg8[%get3A] {strides = array<i32>} : memref<2048xi32, #tpu.memory_space<vmem>>, vector<16xi32>,
      %get3A_102 = vector.shape_cast %get3A_101 : vector<16xi32> to vector<16xi32>
      %sub3A = vector.broadcast %mul3A_11 : i32 to vector<16xi32>
      %sub3A_103 = arith.subi %get3A_102, %sub3A : vector<16xi32>
      %ge3A = arith.constant 0 : i32
      %ge3A_104 = vector.broadcast %ge3A : i32 to vector<16xi32>
      %ge3A_105 = arith.cmpi sge, %sub3A_103, %ge3A_104 : vector<16xi32>
      %lt3A = arith.constant 524288 : i32
      %lt3A_106 = vector.broadcast %lt3A : i32 to vector<16xi32>
      %lt3A_107 = arith.cmpi slt, %sub3A_103, %lt3A_106 : vector<16xi32>
      %and3A = arith.andi %ge3A_105, %lt3A_107 : vector<16xi1>
      %mul3A_108 = arith.constant 2048 : i32
      %mul3A_109 = arith.muli %arg1, %mul3A_108 : i32
      %add3A_110 = arith.constant 524288 : i32
      %add3A_111 = arith.addi %add3A_110, %mul3A_109 : i32
      %mul3A_112 = arith.constant 16 : i32
      %mul3A_113 = arith.muli %scan3A_97, %mul3A_112 : i32
      %add3A_114 = arith.addi %add3A_111, %mul3A_113 : i32
      %iota3A = tpu.iota {dimensions = array<i32: 0>} : vector<16xi32>
      %add3A_115 = vector.broadcast %add3A_114 : i32 to vector<16xi32>
      %add3A_116 = arith.addi %add3A_115, %iota3A : vector<16xi32>
      %select_n3A = arith.select %and3A, %sub3A_103, %add3A_116 : vector<16xi1>, vector<16xi32>
      %mul3A_117 = arith.constant 16 : i32
      %mul3A_118 = arith.muli %scan3A_97, %mul3A_117 : i32
      %swap3A = arith.index_cast %mul3A_118 : i32 to index
      %swap3A_119 = tpu.vector_load %arg9[%swap3A] {strides = array<i32>} : memref<2048xi32, #tpu.memory_space<vmem>>, vector<16xi32>,
      %swap3A_120 = vector.shape_cast %swap3A_119 : vector<16xi32> to vector<16xi32>
      %swap3A_121 = vector.shape_cast %select_n3A : vector<16xi32> to vector<16xi32>
      tpu.vector_store %arg9[%swap3A], %swap3A_121 {strides = array<i32>} : memref<2048xi32, #tpu.memory_space<vmem>>, vector<16xi32>,
      %scan3A_122 = arith.constant 0 : i32
      scf.yield %scan3A_122 : i32
    }
    %scan3A_20 = arith.constant 128 : i32
    "tpu.region"() ({
      %run_scoped3A = tpu.sem_alloc : memref<!tpu.dma_semaphore, #tpu.memory_space<semaphore_mem>>
      %dma_start3A = arith.constant 0 : i32
      %dma_start3A_97 = tpu.memref_slice %arg13[%dma_start3A] : memref<557056xf32, #tpu.memory_space<vmem_shared>> -> memref<557056xf32, #tpu.memory_space<vmem_shared>>
      tpu.enqueue_indirect_dma source(%arg10 : memref<2048xf32, #tpu.memory_space<vmem>>) target(%dma_start3A_97 : memref<557056xf32, #tpu.memory_space<vmem_shared>>) offsets(%arg9 : memref<2048xi32, #tpu.memory_space<vmem>>) semaphore(%run_scoped3A : memref<!tpu.dma_semaphore, #tpu.memory_space<semaphore_mem>>) {add = true}
      %dma_wait3A = arith.constant 0 : i32
      %dma_wait3A_98 = tpu.memref_slice %arg13[%dma_wait3A] : memref<557056xf32, #tpu.memory_space<vmem_shared>> -> memref<557056xf32, #tpu.memory_space<vmem_shared>>
      tpu.wait_indirect_dma semaphore(%run_scoped3A : memref<!tpu.dma_semaphore, #tpu.memory_space<semaphore_mem>>) src(%arg10 : memref<2048xf32, #tpu.memory_space<vmem>>) dst(%dma_wait3A_98 : memref<557056xf32, #tpu.memory_space<vmem_shared>>)
      tpu.yield
    }) : () -> ()
    %barrier3A_21 = arith.constant 0 : index
    tpu.barrier barrier_id(%barrier3A_21)
    %mul3A_22 = arith.constant 32768 : i32
    %mul3A_23 = arith.muli %arg1, %mul3A_22 : i32
    "tpu.region"() ({
      %run_scoped3A = tpu.sem_alloc : memref<!tpu.dma_semaphore, #tpu.memory_space<semaphore_mem>>
      %dma_start3A = tpu.memref_slice %arg13[%mul3A_23] : memref<557056xf32, #tpu.memory_space<vmem_shared>> -> memref<32768xf32, #tpu.memory_space<vmem_shared>>
      %dma_start3A_97 = tpu.memref_slice %arg13[%mul3A_23] : memref<557056xf32, #tpu.memory_space<vmem_shared>> -> memref<32768xf32, #tpu.memory_space<vmem_shared>>
      tpu.enqueue_dma source(%dma_start3A_97 : memref<32768xf32, #tpu.memory_space<vmem_shared>>) target(%arg12 : memref<32768xf32, #tpu.memory_space<vmem>>) target_semaphore(%run_scoped3A : memref<!tpu.dma_semaphore, #tpu.memory_space<semaphore_mem>>)
      %dma_wait3A = tpu.memref_slice %arg13[%mul3A_23] : memref<557056xf32, #tpu.memory_space<vmem_shared>> -> memref<32768xf32, #tpu.memory_space<vmem_shared>>
      %dma_wait3A_98 = tpu.memref_slice %arg13[%mul3A_23] : memref<557056xf32, #tpu.memory_space<vmem_shared>> -> memref<32768xf32, #tpu.memory_space<vmem_shared>>
      tpu.wait_dma2 semaphore(%run_scoped3A : memref<!tpu.dma_semaphore, #tpu.memory_space<semaphore_mem>>) src(%dma_wait3A_98 : memref<32768xf32, #tpu.memory_space<vmem_shared>>) dst(%arg12 : memref<32768xf32, #tpu.memory_space<vmem>>)
      tpu.yield
    }) : () -> ()
    %mul3A_24 = arith.constant 32768 : i32
    %mul3A_25 = arith.muli %arg1, %mul3A_24 : i32
    %add3A_26 = arith.addi %mul3A_11, %mul3A_25 : i32
    "tpu.region"() ({
      %run_scoped3A = tpu.sem_alloc : memref<!tpu.dma_semaphore, #tpu.memory_space<semaphore_mem>>
      %dma_start3A = tpu.memref_slice %arg5[%add3A_26] : memref<4194304xf32, #tpu.memory_space<hbm>> -> memref<32768xf32, #tpu.memory_space<hbm>>
      %dma_start3A_97 = tpu.memref_slice %arg5[%add3A_26] : memref<4194304xf32, #tpu.memory_space<hbm>> -> memref<32768xf32, #tpu.memory_space<hbm>>
      tpu.enqueue_dma source(%arg12 : memref<32768xf32, #tpu.memory_space<vmem>>) target(%dma_start3A_97 : memref<32768xf32, #tpu.memory_space<hbm>>) target_semaphore(%run_scoped3A : memref<!tpu.dma_semaphore, #tpu.memory_space<semaphore_mem>>)
      %dma_wait3A = tpu.memref_slice %arg5[%add3A_26] : memref<4194304xf32, #tpu.memory_space<hbm>> -> memref<32768xf32, #tpu.memory_space<hbm>>
      %dma_wait3A_98 = tpu.memref_slice %arg5[%add3A_26] : memref<4194304xf32, #tpu.memory_space<hbm>> -> memref<32768xf32, #tpu.memory_space<hbm>>
      tpu.wait_dma2 semaphore(%run_scoped3A : memref<!tpu.dma_semaphore, #tpu.memory_space<semaphore_mem>>) src(%arg12 : memref<32768xf32, #tpu.memory_space<vmem>>) dst(%dma_wait3A_98 : memref<32768xf32, #tpu.memory_space<hbm>>)
      tpu.yield
    }) : () -> ()
    %barrier3A_27 = arith.constant 0 : index
    tpu.barrier barrier_id(%barrier3A_27)
    %mul3A_28 = arith.constant 4 : i32
    %mul3A_29 = arith.muli %arg0, %mul3A_28 : i32
    %add3A_30 = arith.constant 1 : i32
    %add3A_31 = arith.addi %mul3A_29, %add3A_30 : i32
    %mul3A_32 = arith.constant 524288 : i32
    %mul3A_33 = arith.muli %add3A_31, %mul3A_32 : i32
    %mul3A_34 = arith.constant 32768 : i32
    %mul3A_35 = arith.muli %arg1, %mul3A_34 : i32
    "tpu.region"() ({
      %run_scoped3A = tpu.sem_alloc : memref<!tpu.dma_semaphore, #tpu.memory_space<semaphore_mem>>
      %dma_start3A = tpu.memref_slice %arg13[%mul3A_35] : memref<557056xf32, #tpu.memory_space<vmem_shared>> -> memref<32768xf32, #tpu.memory_space<vmem_shared>>
      %dma_start3A_97 = tpu.memref_slice %arg13[%mul3A_35] : memref<557056xf32, #tpu.memory_space<vmem_shared>> -> memref<32768xf32, #tpu.memory_space<vmem_shared>>
      tpu.enqueue_dma source(%arg11 : memref<32768xf32, #tpu.memory_space<vmem>>) target(%dma_start3A_97 : memref<32768xf32, #tpu.memory_space<vmem_shared>>) target_semaphore(%run_scoped3A : memref<!tpu.dma_semaphore, #tpu.memory_space<semaphore_mem>>)
      %dma_wait3A = tpu.memref_slice %arg13[%mul3A_35] : memref<557056xf32, #tpu.memory_space<vmem_shared>> -> memref<32768xf32, #tpu.memory_space<vmem_shared>>
      %dma_wait3A_98 = tpu.memref_slice %arg13[%mul3A_35] : memref<557056xf32, #tpu.memory_space<vmem_shared>> -> memref<32768xf32, #tpu.memory_space<vmem_shared>>
      tpu.wait_dma2 semaphore(%run_scoped3A : memref<!tpu.dma_semaphore, #tpu.memory_space<semaphore_mem>>) src(%arg11 : memref<32768xf32, #tpu.memory_space<vmem>>) dst(%dma_wait3A_98 : memref<32768xf32, #tpu.memory_space<vmem_shared>>)
      tpu.yield
    }) : () -> ()
    %barrier3A_36 = arith.constant 0 : index
    tpu.barrier barrier_id(%barrier3A_36)
    %scan3A_37 = arith.constant 0 : i32
    %scan3A_38 = arith.constant 0 : i32
    %scan3A_39 = arith.constant 128 : i32
    %scan3A_40 = arith.addi %scan3A_38, %scan3A_39 : i32
    %scan3A_41 = arith.constant 1 : i32
    %scan3A_42 = scf.for %scan3A_97 = %scan3A_38 to %scan3A_40 step %scan3A_41 iter_args(%scan3A_98 = %scan3A_37) -> (i32)  : i32 {
      %mul3A_99 = arith.constant 16 : i32
      %mul3A_100 = arith.muli %scan3A_97, %mul3A_99 : i32
      %get3A = arith.index_cast %mul3A_100 : i32 to index
      %get3A_101 = tpu.vector_load %arg8[%get3A] {strides = array<i32>} : memref<2048xi32, #tpu.memory_space<vmem>>, vector<16xi32>,
      %get3A_102 = vector.shape_cast %get3A_101 : vector<16xi32> to vector<16xi32>
      %sub3A = vector.broadcast %mul3A_33 : i32 to vector<16xi32>
      %sub3A_103 = arith.subi %get3A_102, %sub3A : vector<16xi32>
      %ge3A = arith.constant 0 : i32
      %ge3A_104 = vector.broadcast %ge3A : i32 to vector<16xi32>
      %ge3A_105 = arith.cmpi sge, %sub3A_103, %ge3A_104 : vector<16xi32>
      %lt3A = arith.constant 524288 : i32
      %lt3A_106 = vector.broadcast %lt3A : i32 to vector<16xi32>
      %lt3A_107 = arith.cmpi slt, %sub3A_103, %lt3A_106 : vector<16xi32>
      %and3A = arith.andi %ge3A_105, %lt3A_107 : vector<16xi1>
      %mul3A_108 = arith.constant 2048 : i32
      %mul3A_109 = arith.muli %arg1, %mul3A_108 : i32
      %add3A_110 = arith.constant 524288 : i32
      %add3A_111 = arith.addi %add3A_110, %mul3A_109 : i32
      %mul3A_112 = arith.constant 16 : i32
      %mul3A_113 = arith.muli %scan3A_97, %mul3A_112 : i32
      %add3A_114 = arith.addi %add3A_111, %mul3A_113 : i32
      %iota3A = tpu.iota {dimensions = array<i32: 0>} : vector<16xi32>
      %add3A_115 = vector.broadcast %add3A_114 : i32 to vector<16xi32>
      %add3A_116 = arith.addi %add3A_115, %iota3A : vector<16xi32>
      %select_n3A = arith.select %and3A, %sub3A_103, %add3A_116 : vector<16xi1>, vector<16xi32>
      %mul3A_117 = arith.constant 16 : i32
      %mul3A_118 = arith.muli %scan3A_97, %mul3A_117 : i32
      %swap3A = arith.index_cast %mul3A_118 : i32 to index
      %swap3A_119 = tpu.vector_load %arg9[%swap3A] {strides = array<i32>} : memref<2048xi32, #tpu.memory_space<vmem>>, vector<16xi32>,
      %swap3A_120 = vector.shape_cast %swap3A_119 : vector<16xi32> to vector<16xi32>
      %swap3A_121 = vector.shape_cast %select_n3A : vector<16xi32> to vector<16xi32>
      tpu.vector_store %arg9[%swap3A], %swap3A_121 {strides = array<i32>} : memref<2048xi32, #tpu.memory_space<vmem>>, vector<16xi32>,
      %scan3A_122 = arith.constant 0 : i32
      scf.yield %scan3A_122 : i32
    }
    %scan3A_43 = arith.constant 128 : i32
    "tpu.region"() ({
      %run_scoped3A = tpu.sem_alloc : memref<!tpu.dma_semaphore, #tpu.memory_space<semaphore_mem>>
      %dma_start3A = arith.constant 0 : i32
      %dma_start3A_97 = tpu.memref_slice %arg13[%dma_start3A] : memref<557056xf32, #tpu.memory_space<vmem_shared>> -> memref<557056xf32, #tpu.memory_space<vmem_shared>>
      tpu.enqueue_indirect_dma source(%arg10 : memref<2048xf32, #tpu.memory_space<vmem>>) target(%dma_start3A_97 : memref<557056xf32, #tpu.memory_space<vmem_shared>>) offsets(%arg9 : memref<2048xi32, #tpu.memory_space<vmem>>) semaphore(%run_scoped3A : memref<!tpu.dma_semaphore, #tpu.memory_space<semaphore_mem>>) {add = true}
      %dma_wait3A = arith.constant 0 : i32
      %dma_wait3A_98 = tpu.memref_slice %arg13[%dma_wait3A] : memref<557056xf32, #tpu.memory_space<vmem_shared>> -> memref<557056xf32, #tpu.memory_space<vmem_shared>>
      tpu.wait_indirect_dma semaphore(%run_scoped3A : memref<!tpu.dma_semaphore, #tpu.memory_space<semaphore_mem>>) src(%arg10 : memref<2048xf32, #tpu.memory_space<vmem>>) dst(%dma_wait3A_98 : memref<557056xf32, #tpu.memory_space<vmem_shared>>)
      tpu.yield
    }) : () -> ()
    %barrier3A_44 = arith.constant 0 : index
    tpu.barrier barrier_id(%barrier3A_44)
    %mul3A_45 = arith.constant 32768 : i32
    %mul3A_46 = arith.muli %arg1, %mul3A_45 : i32
    "tpu.region"() ({
      %run_scoped3A = tpu.sem_alloc : memref<!tpu.dma_semaphore, #tpu.memory_space<semaphore_mem>>
      %dma_start3A = tpu.memref_slice %arg13[%mul3A_46] : memref<557056xf32, #tpu.memory_space<vmem_shared>> -> memref<32768xf32, #tpu.memory_space<vmem_shared>>
      %dma_start3A_97 = tpu.memref_slice %arg13[%mul3A_46] : memref<557056xf32, #tpu.memory_space<vmem_shared>> -> memref<32768xf32, #tpu.memory_space<vmem_shared>>
      tpu.enqueue_dma source(%dma_start3A_97 : memref<32768xf32, #tpu.memory_space<vmem_shared>>) target(%arg12 : memref<32768xf32, #tpu.memory_space<vmem>>) target_semaphore(%run_scoped3A : memref<!tpu.dma_semaphore, #tpu.memory_space<semaphore_mem>>)
      %dma_wait3A = tpu.memref_slice %arg13[%mul3A_46] : memref<557056xf32, #tpu.memory_space<vmem_shared>> -> memref<32768xf32, #tpu.memory_space<vmem_shared>>
      %dma_wait3A_98 = tpu.memref_slice %arg13[%mul3A_46] : memref<557056xf32, #tpu.memory_space<vmem_shared>> -> memref<32768xf32, #tpu.memory_space<vmem_shared>>
      tpu.wait_dma2 semaphore(%run_scoped3A : memref<!tpu.dma_semaphore, #tpu.memory_space<semaphore_mem>>) src(%dma_wait3A_98 : memref<32768xf32, #tpu.memory_space<vmem_shared>>) dst(%arg12 : memref<32768xf32, #tpu.memory_space<vmem>>)
      tpu.yield
    }) : () -> ()
    %mul3A_47 = arith.constant 32768 : i32
    %mul3A_48 = arith.muli %arg1, %mul3A_47 : i32
    %add3A_49 = arith.addi %mul3A_33, %mul3A_48 : i32
    "tpu.region"() ({
      %run_scoped3A = tpu.sem_alloc : memref<!tpu.dma_semaphore, #tpu.memory_space<semaphore_mem>>
      %dma_start3A = tpu.memref_slice %arg5[%add3A_49] : memref<4194304xf32, #tpu.memory_space<hbm>> -> memref<32768xf32, #tpu.memory_space<hbm>>
      %dma_start3A_97 = tpu.memref_slice %arg5[%add3A_49] : memref<4194304xf32, #tpu.memory_space<hbm>> -> memref<32768xf32, #tpu.memory_space<hbm>>
      tpu.enqueue_dma source(%arg12 : memref<32768xf32, #tpu.memory_space<vmem>>) target(%dma_start3A_97 : memref<32768xf32, #tpu.memory_space<hbm>>) target_semaphore(%run_scoped3A : memref<!tpu.dma_semaphore, #tpu.memory_space<semaphore_mem>>)
      %dma_wait3A = tpu.memref_slice %arg5[%add3A_49] : memref<4194304xf32, #tpu.memory_space<hbm>> -> memref<32768xf32, #tpu.memory_space<hbm>>
      %dma_wait3A_98 = tpu.memref_slice %arg5[%add3A_49] : memref<4194304xf32, #tpu.memory_space<hbm>> -> memref<32768xf32, #tpu.memory_space<hbm>>
      tpu.wait_dma2 semaphore(%run_scoped3A : memref<!tpu.dma_semaphore, #tpu.memory_space<semaphore_mem>>) src(%arg12 : memref<32768xf32, #tpu.memory_space<vmem>>) dst(%dma_wait3A_98 : memref<32768xf32, #tpu.memory_space<hbm>>)
      tpu.yield
    }) : () -> ()
    %barrier3A_50 = arith.constant 0 : index
    tpu.barrier barrier_id(%barrier3A_50)
    %mul3A_51 = arith.constant 4 : i32
    %mul3A_52 = arith.muli %arg0, %mul3A_51 : i32
    %add3A_53 = arith.constant 2 : i32
    %add3A_54 = arith.addi %mul3A_52, %add3A_53 : i32
    %mul3A_55 = arith.constant 524288 : i32
    %mul3A_56 = arith.muli %add3A_54, %mul3A_55 : i32
    %mul3A_57 = arith.constant 32768 : i32
    %mul3A_58 = arith.muli %arg1, %mul3A_57 : i32
    "tpu.region"() ({
      %run_scoped3A = tpu.sem_alloc : memref<!tpu.dma_semaphore, #tpu.memory_space<semaphore_mem>>
      %dma_start3A = tpu.memref_slice %arg13[%mul3A_58] : memref<557056xf32, #tpu.memory_space<vmem_shared>> -> memref<32768xf32, #tpu.memory_space<vmem_shared>>
      %dma_start3A_97 = tpu.memref_slice %arg13[%mul3A_58] : memref<557056xf32, #tpu.memory_space<vmem_shared>> -> memref<32768xf32, #tpu.memory_space<vmem_shared>>
      tpu.enqueue_dma source(%arg11 : memref<32768xf32, #tpu.memory_space<vmem>>) target(%dma_start3A_97 : memref<32768xf32, #tpu.memory_space<vmem_shared>>) target_semaphore(%run_scoped3A : memref<!tpu.dma_semaphore, #tpu.memory_space<semaphore_mem>>)
      %dma_wait3A = tpu.memref_slice %arg13[%mul3A_58] : memref<557056xf32, #tpu.memory_space<vmem_shared>> -> memref<32768xf32, #tpu.memory_space<vmem_shared>>
      %dma_wait3A_98 = tpu.memref_slice %arg13[%mul3A_58] : memref<557056xf32, #tpu.memory_space<vmem_shared>> -> memref<32768xf32, #tpu.memory_space<vmem_shared>>
      tpu.wait_dma2 semaphore(%run_scoped3A : memref<!tpu.dma_semaphore, #tpu.memory_space<semaphore_mem>>) src(%arg11 : memref<32768xf32, #tpu.memory_space<vmem>>) dst(%dma_wait3A_98 : memref<32768xf32, #tpu.memory_space<vmem_shared>>)
      tpu.yield
    }) : () -> ()
    %barrier3A_59 = arith.constant 0 : index
    tpu.barrier barrier_id(%barrier3A_59)
    %scan3A_60 = arith.constant 0 : i32
    %scan3A_61 = arith.constant 0 : i32
    %scan3A_62 = arith.constant 128 : i32
    %scan3A_63 = arith.addi %scan3A_61, %scan3A_62 : i32
    %scan3A_64 = arith.constant 1 : i32
    %scan3A_65 = scf.for %scan3A_97 = %scan3A_61 to %scan3A_63 step %scan3A_64 iter_args(%scan3A_98 = %scan3A_60) -> (i32)  : i32 {
      %mul3A_99 = arith.constant 16 : i32
      %mul3A_100 = arith.muli %scan3A_97, %mul3A_99 : i32
      %get3A = arith.index_cast %mul3A_100 : i32 to index
      %get3A_101 = tpu.vector_load %arg8[%get3A] {strides = array<i32>} : memref<2048xi32, #tpu.memory_space<vmem>>, vector<16xi32>,
      %get3A_102 = vector.shape_cast %get3A_101 : vector<16xi32> to vector<16xi32>
      %sub3A = vector.broadcast %mul3A_56 : i32 to vector<16xi32>
      %sub3A_103 = arith.subi %get3A_102, %sub3A : vector<16xi32>
      %ge3A = arith.constant 0 : i32
      %ge3A_104 = vector.broadcast %ge3A : i32 to vector<16xi32>
      %ge3A_105 = arith.cmpi sge, %sub3A_103, %ge3A_104 : vector<16xi32>
      %lt3A = arith.constant 524288 : i32
      %lt3A_106 = vector.broadcast %lt3A : i32 to vector<16xi32>
      %lt3A_107 = arith.cmpi slt, %sub3A_103, %lt3A_106 : vector<16xi32>
      %and3A = arith.andi %ge3A_105, %lt3A_107 : vector<16xi1>
      %mul3A_108 = arith.constant 2048 : i32
      %mul3A_109 = arith.muli %arg1, %mul3A_108 : i32
      %add3A_110 = arith.constant 524288 : i32
      %add3A_111 = arith.addi %add3A_110, %mul3A_109 : i32
      %mul3A_112 = arith.constant 16 : i32
      %mul3A_113 = arith.muli %scan3A_97, %mul3A_112 : i32
      %add3A_114 = arith.addi %add3A_111, %mul3A_113 : i32
      %iota3A = tpu.iota {dimensions = array<i32: 0>} : vector<16xi32>
      %add3A_115 = vector.broadcast %add3A_114 : i32 to vector<16xi32>
      %add3A_116 = arith.addi %add3A_115, %iota3A : vector<16xi32>
      %select_n3A = arith.select %and3A, %sub3A_103, %add3A_116 : vector<16xi1>, vector<16xi32>
      %mul3A_117 = arith.constant 16 : i32
      %mul3A_118 = arith.muli %scan3A_97, %mul3A_117 : i32
      %swap3A = arith.index_cast %mul3A_118 : i32 to index
      %swap3A_119 = tpu.vector_load %arg9[%swap3A] {strides = array<i32>} : memref<2048xi32, #tpu.memory_space<vmem>>, vector<16xi32>,
      %swap3A_120 = vector.shape_cast %swap3A_119 : vector<16xi32> to vector<16xi32>
      %swap3A_121 = vector.shape_cast %select_n3A : vector<16xi32> to vector<16xi32>
      tpu.vector_store %arg9[%swap3A], %swap3A_121 {strides = array<i32>} : memref<2048xi32, #tpu.memory_space<vmem>>, vector<16xi32>,
      %scan3A_122 = arith.constant 0 : i32
      scf.yield %scan3A_122 : i32
    }
    %scan3A_66 = arith.constant 128 : i32
    "tpu.region"() ({
      %run_scoped3A = tpu.sem_alloc : memref<!tpu.dma_semaphore, #tpu.memory_space<semaphore_mem>>
      %dma_start3A = arith.constant 0 : i32
      %dma_start3A_97 = tpu.memref_slice %arg13[%dma_start3A] : memref<557056xf32, #tpu.memory_space<vmem_shared>> -> memref<557056xf32, #tpu.memory_space<vmem_shared>>
      tpu.enqueue_indirect_dma source(%arg10 : memref<2048xf32, #tpu.memory_space<vmem>>) target(%dma_start3A_97 : memref<557056xf32, #tpu.memory_space<vmem_shared>>) offsets(%arg9 : memref<2048xi32, #tpu.memory_space<vmem>>) semaphore(%run_scoped3A : memref<!tpu.dma_semaphore, #tpu.memory_space<semaphore_mem>>) {add = true}
      %dma_wait3A = arith.constant 0 : i32
      %dma_wait3A_98 = tpu.memref_slice %arg13[%dma_wait3A] : memref<557056xf32, #tpu.memory_space<vmem_shared>> -> memref<557056xf32, #tpu.memory_space<vmem_shared>>
      tpu.wait_indirect_dma semaphore(%run_scoped3A : memref<!tpu.dma_semaphore, #tpu.memory_space<semaphore_mem>>) src(%arg10 : memref<2048xf32, #tpu.memory_space<vmem>>) dst(%dma_wait3A_98 : memref<557056xf32, #tpu.memory_space<vmem_shared>>)
      tpu.yield
    }) : () -> ()
    %barrier3A_67 = arith.constant 0 : index
    tpu.barrier barrier_id(%barrier3A_67)
    %mul3A_68 = arith.constant 32768 : i32
    %mul3A_69 = arith.muli %arg1, %mul3A_68 : i32
    "tpu.region"() ({
      %run_scoped3A = tpu.sem_alloc : memref<!tpu.dma_semaphore, #tpu.memory_space<semaphore_mem>>
      %dma_start3A = tpu.memref_slice %arg13[%mul3A_69] : memref<557056xf32, #tpu.memory_space<vmem_shared>> -> memref<32768xf32, #tpu.memory_space<vmem_shared>>
      %dma_start3A_97 = tpu.memref_slice %arg13[%mul3A_69] : memref<557056xf32, #tpu.memory_space<vmem_shared>> -> memref<32768xf32, #tpu.memory_space<vmem_shared>>
      tpu.enqueue_dma source(%dma_start3A_97 : memref<32768xf32, #tpu.memory_space<vmem_shared>>) target(%arg12 : memref<32768xf32, #tpu.memory_space<vmem>>) target_semaphore(%run_scoped3A : memref<!tpu.dma_semaphore, #tpu.memory_space<semaphore_mem>>)
      %dma_wait3A = tpu.memref_slice %arg13[%mul3A_69] : memref<557056xf32, #tpu.memory_space<vmem_shared>> -> memref<32768xf32, #tpu.memory_space<vmem_shared>>
      %dma_wait3A_98 = tpu.memref_slice %arg13[%mul3A_69] : memref<557056xf32, #tpu.memory_space<vmem_shared>> -> memref<32768xf32, #tpu.memory_space<vmem_shared>>
      tpu.wait_dma2 semaphore(%run_scoped3A : memref<!tpu.dma_semaphore, #tpu.memory_space<semaphore_mem>>) src(%dma_wait3A_98 : memref<32768xf32, #tpu.memory_space<vmem_shared>>) dst(%arg12 : memref<32768xf32, #tpu.memory_space<vmem>>)
      tpu.yield
    }) : () -> ()
    %mul3A_70 = arith.constant 32768 : i32
    %mul3A_71 = arith.muli %arg1, %mul3A_70 : i32
    %add3A_72 = arith.addi %mul3A_56, %mul3A_71 : i32
    "tpu.region"() ({
      %run_scoped3A = tpu.sem_alloc : memref<!tpu.dma_semaphore, #tpu.memory_space<semaphore_mem>>
      %dma_start3A = tpu.memref_slice %arg5[%add3A_72] : memref<4194304xf32, #tpu.memory_space<hbm>> -> memref<32768xf32, #tpu.memory_space<hbm>>
      %dma_start3A_97 = tpu.memref_slice %arg5[%add3A_72] : memref<4194304xf32, #tpu.memory_space<hbm>> -> memref<32768xf32, #tpu.memory_space<hbm>>
      tpu.enqueue_dma source(%arg12 : memref<32768xf32, #tpu.memory_space<vmem>>) target(%dma_start3A_97 : memref<32768xf32, #tpu.memory_space<hbm>>) target_semaphore(%run_scoped3A : memref<!tpu.dma_semaphore, #tpu.memory_space<semaphore_mem>>)
      %dma_wait3A = tpu.memref_slice %arg5[%add3A_72] : memref<4194304xf32, #tpu.memory_space<hbm>> -> memref<32768xf32, #tpu.memory_space<hbm>>
      %dma_wait3A_98 = tpu.memref_slice %arg5[%add3A_72] : memref<4194304xf32, #tpu.memory_space<hbm>> -> memref<32768xf32, #tpu.memory_space<hbm>>
      tpu.wait_dma2 semaphore(%run_scoped3A : memref<!tpu.dma_semaphore, #tpu.memory_space<semaphore_mem>>) src(%arg12 : memref<32768xf32, #tpu.memory_space<vmem>>) dst(%dma_wait3A_98 : memref<32768xf32, #tpu.memory_space<hbm>>)
      tpu.yield
    }) : () -> ()
    %barrier3A_73 = arith.constant 0 : index
    tpu.barrier barrier_id(%barrier3A_73)
    %mul3A_74 = arith.constant 4 : i32
    %mul3A_75 = arith.muli %arg0, %mul3A_74 : i32
    %add3A_76 = arith.constant 3 : i32
    %add3A_77 = arith.addi %mul3A_75, %add3A_76 : i32
    %mul3A_78 = arith.constant 524288 : i32
    %mul3A_79 = arith.muli %add3A_77, %mul3A_78 : i32
    %mul3A_80 = arith.constant 32768 : i32
    %mul3A_81 = arith.muli %arg1, %mul3A_80 : i32
    "tpu.region"() ({
      %run_scoped3A = tpu.sem_alloc : memref<!tpu.dma_semaphore, #tpu.memory_space<semaphore_mem>>
      %dma_start3A = tpu.memref_slice %arg13[%mul3A_81] : memref<557056xf32, #tpu.memory_space<vmem_shared>> -> memref<32768xf32, #tpu.memory_space<vmem_shared>>
      %dma_start3A_97 = tpu.memref_slice %arg13[%mul3A_81] : memref<557056xf32, #tpu.memory_space<vmem_shared>> -> memref<32768xf32, #tpu.memory_space<vmem_shared>>
      tpu.enqueue_dma source(%arg11 : memref<32768xf32, #tpu.memory_space<vmem>>) target(%dma_start3A_97 : memref<32768xf32, #tpu.memory_space<vmem_shared>>) target_semaphore(%run_scoped3A : memref<!tpu.dma_semaphore, #tpu.memory_space<semaphore_mem>>)
      %dma_wait3A = tpu.memref_slice %arg13[%mul3A_81] : memref<557056xf32, #tpu.memory_space<vmem_shared>> -> memref<32768xf32, #tpu.memory_space<vmem_shared>>
      %dma_wait3A_98 = tpu.memref_slice %arg13[%mul3A_81] : memref<557056xf32, #tpu.memory_space<vmem_shared>> -> memref<32768xf32, #tpu.memory_space<vmem_shared>>
      tpu.wait_dma2 semaphore(%run_scoped3A : memref<!tpu.dma_semaphore, #tpu.memory_space<semaphore_mem>>) src(%arg11 : memref<32768xf32, #tpu.memory_space<vmem>>) dst(%dma_wait3A_98 : memref<32768xf32, #tpu.memory_space<vmem_shared>>)
      tpu.yield
    }) : () -> ()
    %barrier3A_82 = arith.constant 0 : index
    tpu.barrier barrier_id(%barrier3A_82)
    %scan3A_83 = arith.constant 0 : i32
    %scan3A_84 = arith.constant 0 : i32
    %scan3A_85 = arith.constant 128 : i32
    %scan3A_86 = arith.addi %scan3A_84, %scan3A_85 : i32
    %scan3A_87 = arith.constant 1 : i32
    %scan3A_88 = scf.for %scan3A_97 = %scan3A_84 to %scan3A_86 step %scan3A_87 iter_args(%scan3A_98 = %scan3A_83) -> (i32)  : i32 {
      %mul3A_99 = arith.constant 16 : i32
      %mul3A_100 = arith.muli %scan3A_97, %mul3A_99 : i32
      %get3A = arith.index_cast %mul3A_100 : i32 to index
      %get3A_101 = tpu.vector_load %arg8[%get3A] {strides = array<i32>} : memref<2048xi32, #tpu.memory_space<vmem>>, vector<16xi32>,
      %get3A_102 = vector.shape_cast %get3A_101 : vector<16xi32> to vector<16xi32>
      %sub3A = vector.broadcast %mul3A_79 : i32 to vector<16xi32>
      %sub3A_103 = arith.subi %get3A_102, %sub3A : vector<16xi32>
      %ge3A = arith.constant 0 : i32
      %ge3A_104 = vector.broadcast %ge3A : i32 to vector<16xi32>
      %ge3A_105 = arith.cmpi sge, %sub3A_103, %ge3A_104 : vector<16xi32>
      %lt3A = arith.constant 524288 : i32
      %lt3A_106 = vector.broadcast %lt3A : i32 to vector<16xi32>
      %lt3A_107 = arith.cmpi slt, %sub3A_103, %lt3A_106 : vector<16xi32>
      %and3A = arith.andi %ge3A_105, %lt3A_107 : vector<16xi1>
      %mul3A_108 = arith.constant 2048 : i32
      %mul3A_109 = arith.muli %arg1, %mul3A_108 : i32
      %add3A_110 = arith.constant 524288 : i32
      %add3A_111 = arith.addi %add3A_110, %mul3A_109 : i32
      %mul3A_112 = arith.constant 16 : i32
      %mul3A_113 = arith.muli %scan3A_97, %mul3A_112 : i32
      %add3A_114 = arith.addi %add3A_111, %mul3A_113 : i32
      %iota3A = tpu.iota {dimensions = array<i32: 0>} : vector<16xi32>
      %add3A_115 = vector.broadcast %add3A_114 : i32 to vector<16xi32>
      %add3A_116 = arith.addi %add3A_115, %iota3A : vector<16xi32>
      %select_n3A = arith.select %and3A, %sub3A_103, %add3A_116 : vector<16xi1>, vector<16xi32>
      %mul3A_117 = arith.constant 16 : i32
      %mul3A_118 = arith.muli %scan3A_97, %mul3A_117 : i32
      %swap3A = arith.index_cast %mul3A_118 : i32 to index
      %swap3A_119 = tpu.vector_load %arg9[%swap3A] {strides = array<i32>} : memref<2048xi32, #tpu.memory_space<vmem>>, vector<16xi32>,
      %swap3A_120 = vector.shape_cast %swap3A_119 : vector<16xi32> to vector<16xi32>
      %swap3A_121 = vector.shape_cast %select_n3A : vector<16xi32> to vector<16xi32>
      tpu.vector_store %arg9[%swap3A], %swap3A_121 {strides = array<i32>} : memref<2048xi32, #tpu.memory_space<vmem>>, vector<16xi32>,
      %scan3A_122 = arith.constant 0 : i32
      scf.yield %scan3A_122 : i32
    }
    %scan3A_89 = arith.constant 128 : i32
    "tpu.region"() ({
      %run_scoped3A = tpu.sem_alloc : memref<!tpu.dma_semaphore, #tpu.memory_space<semaphore_mem>>
      %dma_start3A = arith.constant 0 : i32
      %dma_start3A_97 = tpu.memref_slice %arg13[%dma_start3A] : memref<557056xf32, #tpu.memory_space<vmem_shared>> -> memref<557056xf32, #tpu.memory_space<vmem_shared>>
      tpu.enqueue_indirect_dma source(%arg10 : memref<2048xf32, #tpu.memory_space<vmem>>) target(%dma_start3A_97 : memref<557056xf32, #tpu.memory_space<vmem_shared>>) offsets(%arg9 : memref<2048xi32, #tpu.memory_space<vmem>>) semaphore(%run_scoped3A : memref<!tpu.dma_semaphore, #tpu.memory_space<semaphore_mem>>) {add = true}
      %dma_wait3A = arith.constant 0 : i32
      %dma_wait3A_98 = tpu.memref_slice %arg13[%dma_wait3A] : memref<557056xf32, #tpu.memory_space<vmem_shared>> -> memref<557056xf32, #tpu.memory_space<vmem_shared>>
      tpu.wait_indirect_dma semaphore(%run_scoped3A : memref<!tpu.dma_semaphore, #tpu.memory_space<semaphore_mem>>) src(%arg10 : memref<2048xf32, #tpu.memory_space<vmem>>) dst(%dma_wait3A_98 : memref<557056xf32, #tpu.memory_space<vmem_shared>>)
      tpu.yield
    }) : () -> ()
    %barrier3A_90 = arith.constant 0 : index
    tpu.barrier barrier_id(%barrier3A_90)
    %mul3A_91 = arith.constant 32768 : i32
    %mul3A_92 = arith.muli %arg1, %mul3A_91 : i32
    "tpu.region"() ({
      %run_scoped3A = tpu.sem_alloc : memref<!tpu.dma_semaphore, #tpu.memory_space<semaphore_mem>>
      %dma_start3A = tpu.memref_slice %arg13[%mul3A_92] : memref<557056xf32, #tpu.memory_space<vmem_shared>> -> memref<32768xf32, #tpu.memory_space<vmem_shared>>
      %dma_start3A_97 = tpu.memref_slice %arg13[%mul3A_92] : memref<557056xf32, #tpu.memory_space<vmem_shared>> -> memref<32768xf32, #tpu.memory_space<vmem_shared>>
      tpu.enqueue_dma source(%dma_start3A_97 : memref<32768xf32, #tpu.memory_space<vmem_shared>>) target(%arg12 : memref<32768xf32, #tpu.memory_space<vmem>>) target_semaphore(%run_scoped3A : memref<!tpu.dma_semaphore, #tpu.memory_space<semaphore_mem>>)
      %dma_wait3A = tpu.memref_slice %arg13[%mul3A_92] : memref<557056xf32, #tpu.memory_space<vmem_shared>> -> memref<32768xf32, #tpu.memory_space<vmem_shared>>
      %dma_wait3A_98 = tpu.memref_slice %arg13[%mul3A_92] : memref<557056xf32, #tpu.memory_space<vmem_shared>> -> memref<32768xf32, #tpu.memory_space<vmem_shared>>
      tpu.wait_dma2 semaphore(%run_scoped3A : memref<!tpu.dma_semaphore, #tpu.memory_space<semaphore_mem>>) src(%dma_wait3A_98 : memref<32768xf32, #tpu.memory_space<vmem_shared>>) dst(%arg12 : memref<32768xf32, #tpu.memory_space<vmem>>)
      tpu.yield
    }) : () -> ()
    %mul3A_93 = arith.constant 32768 : i32
    %mul3A_94 = arith.muli %arg1, %mul3A_93 : i32
    %add3A_95 = arith.addi %mul3A_79, %mul3A_94 : i32
    "tpu.region"() ({
      %run_scoped3A = tpu.sem_alloc : memref<!tpu.dma_semaphore, #tpu.memory_space<semaphore_mem>>
      %dma_start3A = tpu.memref_slice %arg5[%add3A_95] : memref<4194304xf32, #tpu.memory_space<hbm>> -> memref<32768xf32, #tpu.memory_space<hbm>>
      %dma_start3A_97 = tpu.memref_slice %arg5[%add3A_95] : memref<4194304xf32, #tpu.memory_space<hbm>> -> memref<32768xf32, #tpu.memory_space<hbm>>
      tpu.enqueue_dma source(%arg12 : memref<32768xf32, #tpu.memory_space<vmem>>) target(%dma_start3A_97 : memref<32768xf32, #tpu.memory_space<hbm>>) target_semaphore(%run_scoped3A : memref<!tpu.dma_semaphore, #tpu.memory_space<semaphore_mem>>)
      %dma_wait3A = tpu.memref_slice %arg5[%add3A_95] : memref<4194304xf32, #tpu.memory_space<hbm>> -> memref<32768xf32, #tpu.memory_space<hbm>>
      %dma_wait3A_98 = tpu.memref_slice %arg5[%add3A_95] : memref<4194304xf32, #tpu.memory_space<hbm>> -> memref<32768xf32, #tpu.memory_space<hbm>>
      tpu.wait_dma2 semaphore(%run_scoped3A : memref<!tpu.dma_semaphore, #tpu.memory_space<semaphore_mem>>) src(%arg12 : memref<32768xf32, #tpu.memory_space<vmem>>) dst(%dma_wait3A_98 : memref<32768xf32, #tpu.memory_space<hbm>>)
      tpu.yield
    }) : () -> ()
    %barrier3A_96 = arith.constant 0 : index
    tpu.barrier barrier_id(%barrier3A_96)
    return
  }
}

</mosaic_0001>

<sc_bundles>
// kernel: _sc_build.3.cloned.1.call-start
scs
__scs_entry_jumppad:
0x0: {  	(pc) =	sbr.rel $0x88, $3  }
0x1: {  	(tag) =	ssettag $0x0;
	lr =	simm.s32 $0x1  }
0x2: {  	[smem:$0x3F9F] =	sst lr;
	_ =	strace $0xD0000000  }
0x3: {  	_ = 	snop  }
0x4: {  	_ = 	snop  }
0x5: {  	_ = 	snop  }
0x6: {  	_ = 	snop  }
0x7: {  	_ = 	snop  }
__scs_overlays_trampoline_lowered:
0x8: {  	[smem:$0x3FAE] =	sst s0  }
0x9: {  	[smem:$0x3FAF] =	sst s1  }
0xa: {  	[smem:$0x3FB0] =	sst s2  }
0xb: {  	[smem:$0x3FB1] =	sst s3  }
0xc: {  	[smem:$0x3FB2] =	sst s4  }
0xd: {  	[smem:$0x3FB3] =	sst s5  }
0xe: {  	[smem:$0x3FB4] =	sst s6  }
0xf: {  	[smem:$0x3FB5] =	sst s7  }
0x10: {  	[smem:$0x3FB6] =	sst s8  }
0x11: {  	[smem:$0x3FB7] =	sst s9;
	s0 =	simm.s32 @!p0 $0x0  }
0x12: {  	s1 =	sld [smem:$0x3F9D];
	s0 =	simm.s32 @p0 $0x1  }
0x13: {  	[smem:$0x3FB8] =	sst s0;
	s0 =	simm.s32 @!p1 $0x0  }
0x14: {  	s2 =	sld [smem:$0x3F9C];
	s0 =	simm.s32 @p1 $0x1  }
0x15: {  	[smem:$0x3FB9] =	sst s0;
	s0 =	simm.s32 @!p2 $0x0  }
0x16: {  	s3 =	sld [smem:$0x3FDB];
	s0 =	simm.s32 @p2 $0x1  }
0x17: {  	s4 =	simm.s32 $0x1BF5;
	[smem:$0x3FBB] =	sst s0  }
0x18: {  	s0 =	sld [smem:$0x3F9E];
	_ =	swait.ge [sflag:s4], $0x0  }
0x19: {  	s7 =	sld [smem:$0x3F9F]  }
0x1a: {  	s8 =	sadd.s32 $0xFFFFE003, lr  }
0x1b: {  	s9 =	sadd.s32 $0xFFFFFEF7, lr;
	s5 =	simm.s32 $0xFFFFFFFF;
	p2 =	slt.u32 s8, $0xFFFFF086  }
0x1c: {  	p1 =	slt.u32 s9, $0xF7A;
	s5 =	simm.s32 @!p2 $0x0  }
0x1d: {  	s5 =	simm.s32 @p1 $0x1;
	p0 =	seq.s32 s7, s2  }
0x1e: {  	s7 =	smul.u32 @!p0 $0xF7A, s2;
	p2 =	seq.s32 @!p0 s5, $0x0  }
0x1f: {  	s9 =	smul.u32 $0xF7A, s1;
	s8 =	simm.s32 @!p0 $0x1BF5;
	p2 =	por !p2, p0  }
0x20: {  	[sflag:s8] =	ssyncset.s32 @!p0 $0xFFFFF086;
	s6 =	sadd.s32 @!p0 s3, s7;
	s7 =	simm.s32 @!p0 $0x108  }
0x21: {  	s3 =	sadd.s32 s3, s9;
	s6 =	sadd.s32 @!p0 $0x88, s6;
	s7 =	simm.s32 @p2 $0x1082  }
0x22: {  	[simem:s7], [sflag:s8] =	dma.local @!p0 [hbm:s6], $0xF7A  }
0x23: {  	s9 =	sor.u32 $0xD0000000, s2;
	s6 =	simm.s32 $0x108;
	_ =	swait.ge @!p0 [sflag:s8], $0x0  }
0x24: {  	s3 =	sadd.s32 $0x88, s3;
	s6 =	simm.s32 @!p1 $0x1082;
	[sflag:s4] =	ssyncset.s32 $0xFFFFF086  }
0x25: {  	[simem:s6], [sflag:s4] =	dma.local [hbm:s3], $0xF7A  }
0x26: {  	[smem:$0x3F9F] =	sst s1;
	(tag) =	ssettag s2;
	_ =	strace s9  }
0x27: {  	s1 =	sld [smem:$0x3FAF]  }
0x28: {  	s2 =	sld [smem:$0x3FB0]  }
0x29: {  	s4 =	sld [smem:$0x3FB2]  }
0x2a: {  	p0 =	seq.s32 s5, $0x0;
	s5 =	sld [smem:$0x3FB3]  }
0x2b: {  	s6 =	sld [smem:$0x3FB4]  }
0x2c: {  	s7 =	sld [smem:$0x3FB5]  }
0x2d: {  	s3 =	simm.s32 $0x108;
	s8 =	sld [smem:$0x3FB6]  }
0x2e: {  	s3 =	simm.s32 @!p0 $0x1082;
	s9 =	sld [smem:$0x3FB7]  }
0x2f: {  	lr =	sadd.s32 s0, s3;
	s0 =	sld [smem:$0x3FAE]  }
0x30: {  	s3 =	sld [smem:$0x3FB1]  }
0x31: {  	[smem:$0x3FBA] =	sst s10  }
0x32: {  	s10 =	sld [smem:$0x3FB8];
	_ =	sdelay $0x3  }
0x33: {  	p0 =	seq.s32 s10, $0x1;
	s10 =	sld [smem:$0x3FBA];
	_ =	sdelay $0x3  }
0x34: {  	[smem:$0x3FBA] =	sst s10  }
0x35: {  	s10 =	sld [smem:$0x3FB9];
	_ =	sdelay $0x3  }
0x36: {  	p1 =	seq.s32 s10, $0x1;
	s10 =	sld [smem:$0x3FBA];
	_ =	sdelay $0x3  }
0x37: {  	[smem:$0x3FBA] =	sst s10  }
0x38: {  	s10 =	sld [smem:$0x3FBB]  }
0x39: {  	_ = 	snop;
	(pc) =	sbr.ind lr, $3  }
0x3a: {  	_ = 	snop  }
0x3b: {  	_ = 	snop  }
0x3c: {  	p2 =	seq.s32 s10, $0x1;
	s10 =	sld [smem:$0x3FBA]  }
0x3d: {  	_ =	shalt  }
0x3e: {  	_ =	shalt  }
0x3f: {  	_ =	shalt  }
0x40: {  	_ =	shalt  }
0x41: {  	_ =	shalt  }
0x42: {  	_ =	shalt  }
0x43: {  	_ =	shalt  }
0x44: {  	_ =	shalt  }
0x45: {  	_ =	shalt  }
0x46: {  	_ =	shalt  }
0x47: {  	_ =	shalt  }
0x48: {  	_ =	shalt  }
0x49: {  	_ =	shalt  }
0x4a: {  	_ =	shalt  }
0x4b: {  	_ =	shalt  }
0x4c: {  	_ =	shalt  }
0x4d: {  	_ =	shalt  }
0x4e: {  	_ =	shalt  }
0x4f: {  	_ =	shalt  }
0x50: {  	_ =	shalt  }
0x51: {  	_ =	shalt  }
0x52: {  	_ =	shalt  }
0x53: {  	_ =	shalt  }
0x54: {  	_ =	shalt  }
0x55: {  	_ =	shalt  }
0x56: {  	_ =	shalt  }
0x57: {  	_ =	shalt  }
0x58: {  	_ =	shalt  }
0x59: {  	_ =	shalt  }
0x5a: {  	_ =	shalt  }
0x5b: {  	_ =	shalt  }
0x5c: {  	_ =	shalt  }
0x5d: {  	_ =	shalt  }
0x5e: {  	_ =	shalt  }
0x5f: {  	_ =	shalt  }
0x60: {  	_ =	shalt  }
0x61: {  	_ =	shalt  }
0x62: {  	_ =	shalt  }
0x63: {  	_ =	shalt  }
0x64: {  	_ =	shalt  }
0x65: {  	_ =	shalt  }
0x66: {  	_ =	shalt  }
0x67: {  	_ =	shalt  }
0x68: {  	_ =	shalt  }
0x69: {  	_ =	shalt  }
0x6a: {  	_ =	shalt  }
0x6b: {  	_ =	shalt  }
0x6c: {  	_ =	shalt  }
0x6d: {  	_ =	shalt  }
0x6e: {  	_ =	shalt  }
0x6f: {  	_ =	shalt  }
0x70: {  	_ =	shalt  }
0x71: {  	_ =	shalt  }
0x72: {  	_ =	shalt  }
0x73: {  	_ =	shalt  }
0x74: {  	_ =	shalt  }
0x75: {  	_ =	shalt  }
0x76: {  	_ =	shalt  }
0x77: {  	_ =	shalt  }
0x78: {  	_ =	shalt  }
0x79: {  	_ =	shalt  }
0x7a: {  	_ =	shalt  }
0x7b: {  	_ =	shalt  }
0x7c: {  	_ =	shalt  }
0x7d: {  	_ =	shalt  }
0x7e: {  	_ =	shalt  }
0x7f: {  	_ =	shalt  }
0x80: {  	_ =	shalt  }
0x81: {  	_ =	shalt  }
0x82: {  	_ =	shalt  }
0x83: {  	_ =	shalt  }
0x84: {  	_ =	shalt  }
0x85: {  	_ =	shalt  }
0x86: {  	_ =	shalt  }
0x87: {  	_ =	shalt  }
.Lfunc_end0:
.L_simem_size_0:
called_computation_lowered:
.L_overlay_start_0:
0x88: {  	s2 =	sld [smem:$0x3FD9]  }
0x89: {  	s3 =	sld [smem:$0x3FFE];
	_ =	sdelay $0x1  }
0x8a: {  	s1 =	srdreg.scid  }
0x8b: {  	s0 =	sand.u32 $0x1, s1  }
0x8c: {  	s17 =	sshll.u32 s0, $0xA;
	s2 =	sadd.s32 s3, s2  }
0x8d: {  	s2 =	sadd.s32 s2, s17  }
0x8e: {  	[smem:$0x3FC6] =	sst s2  }
0x8f: {  	_ = 	snop  }
0x90: {  	s2 =	sld [smem:$0x3FC9]  }
0x91: {  	s18 =	sld [smem:$0x3FC8]  }
0x92: {  	s4 =	sld [smem:$0x3FD0];
	(tm) =	ssettm $0x1  }
0x93: {  	s5 =	sld [smem:$0x3FFB];
	_ =	sdelay $0x3  }
0x94: {  	_ =	strace s5  }
0x95: {  	s5 =	sld [smem:$0x3FFC];
	_ =	sdelay $0x3  }
0x96: {  	_ =	strace s5  }
0x97: {  	s5 =	sld [smem:$0x3FFD];
	_ =	sdelay $0x3  }
0x98: {  	_ =	strace s5  }
0x99: {  	_ =	strace $0x8FFFFFFF  }
0x9a: {  	s19 =	sld [smem:$0x3FDB];
	_ =	sdelay $0x1  }
0x9b: {  	s6 =	simm.s32 $_scs_section_size  }
0x9c: {  	s7 =	simm.s32 $_size__tile_overlayer_lowered;
	s8 =	simm.s32 $_tile_overlayer_lowered  }
0x9d: {  	s22 =	simm.s32 $0x1BFF;
	s21 =	sshll.u32 s8, $0x1;
	s5 =	sadd.s32 s6, s19  }
0x9e: {  	s9 =	simm.s32 $0x0;
	s20 =	sshll.u32 s7, $0x1;
	s7 =	sadd.s32 s21, s5  }
0x9f: {  	[timem:s9], [sflag:s22] =	dma.local [hbm:s7], s20  }
0xa0: {  	_ =	swait.ge [sflag:s22], s20  }
0xa1: {  	s6 =	ssub.s32 $0x0, s20;
	[sflag:s22] =	ssyncset.done $0x0  }
0xa2: {  	[sflag:s22] =	ssyncadd.s32 s6;
	_ =	sdelay $0x1  }
0xa3: {  	s23 =	simm.s32 $0x1B8B  }
0xa4: {  	_ =	swait.ge [sflag:s23], $0x1  }
0xa5: {  	[sflag:s23] =	ssyncset.done $0x0  }
0xa6: {  	s25 =	simm.s32 $0x1B8E;
	s24 =	sld [smem:$0x3FFE];
	[sflag:s23] =	ssyncadd.s32 $0xFFFFFFFF  }
0xa7: {  	s26 =	simm.s32 $execute0_lowered;
	[smem:$0x3FD2] =	sst s25  }
0xa8: {  	s7 =	sshll.u32 s26, $0x1;
	_ =	strace $0x80000046;
	[dreg:$0x1] =	wrdreg $0xFFFFFFFF  }
0xa9: {  	s28 =	simm.s32 $_size_execute0_lowered;
	s5 =	sadd.s32 s5, s7;
	[dreg:$0x0] =	wrdreg $0x0  }
0xaa: {  	s7 =	sshll.u32 s28, $0x1;
	[dreg:$0x2] =	wrdreg s5  }
0xab: {  	[dreg:$0x3] =	wrdreg s7  }
0xac: {  	[dreg:$0x4] =	wrdreg $0xC0  }
0xad: {  	_ =	task [dreg:s9], $0x5FFFF  }
0xae: {  	[dreg:$0x1] =	wrdreg $0xFFFFFFFF  }
0xaf: {  	[dreg:$0x0] =	wrdreg $0x60  }
0xb0: {  	[dreg:$0x2] =	wrdreg s2  }
0xb1: {  	[dreg:$0x3] =	wrdreg s18  }
0xb2: {  	[dreg:$0x4] =	wrdreg s24  }
0xb3: {  	[dreg:$0x5] =	wrdreg s4  }
0xb4: {  	[dreg:$0x6] =	wrdreg $0x128000  }
0xb5: {  	[dreg:$0x7] =	wrdreg $0x9  }
0xb6: {  	_ =	task.clear_ibuf [dreg:s9], $0x8FFFF;
	_ =	strace $0x90000046  }
0xb7: {  	s29 =	simm.s32 $0x9;
	_ =	strace $0x80000048  }
0xb8: {  	_ =	swait.ge [sflag:s29], $0x1  }
0xb9: {  	[sflag:s29] =	ssyncadd.s32 $0xFFFFFFFF  }
0xba: {  	_ =	strace $0x90000048  }
0xbb: {  	_ =	sfence  }
0xbc: {  	s30 =	sld [smem:$0x0];
	_ =	sdelay $0x2  }
0xbd: {  	s31 =	sshll.u32 s1, $0xD;
	s1 =	sshrl.u32 s1, $0x2  }
0xbe: {  	s3 =	sand.u32 $0x4000, s31;
	s1 =	sadd.s32 s1, s30  }
0xbf: {  	s0 =	sor.u32 s3, s0;
	s1 =	sshll.u32 s1, $0x11  }
0xc0: {  	s0 =	sor.u32 s1, s0  }
0xc1: {  	s0 =	sadd.s32 $0x8F2B, s0  }
0xc2: {  	[sflag:s0] =	ssyncadd.remote.s32 $0x1  }
0xc3: {  	_ =	sfence.sel $0xFFFF  }
0xc4: {  	[dreg:$0x0] =	wrdreg $0xFFFFFFFF;
	(pc) =	sbr.abs _section_cstart, $3  }
0xc5: {  	[dreg:$0x1] =	wrdreg $0xFFFFFFFF  }
0xc6: {  	_ =	task.clear_ibuf [dreg:s9], $0x2FFFF;
	_ =	strace $0x9FFFFFFF  }
0xc7: {  	(tm) =	ssettm $0x7FFFFFFF  }
tec
execute0_lowered:
.L_overlay_start_1:
0x0: {  	(tag) =	ssettag $0x1  }
0x1: {  	s5 =	rddreg [dreg:$0x0]  }
0x2: {  	s6 =	rddreg [dreg:$0x1]  }
0x3: {  	s7 =	rddreg [dreg:$0x2]  }
0x4: {  	s12 =	rddreg [dreg:$0x3]  }
0x5: {  	s1 =	rddreg [dreg:$0x4]  }
0x6: {  	s0 =	rddreg [dreg:$0x5]  }
0x7: {  	s2 =	simm.s32 $0x0;
	s3 =	srdreg.scid;
	s21 =	simm.s32 $0x0  }
0x8: {  	[smem:$0x7FF] =	sst s2;
	s8 =	sand.u32 $0x1, s3;
	s4 =	sadd.s32 $0x400, s7  }
0x9: {  	s3 =	stileid.u32;
	s7 =	sadd.s32 $0x1400, s7;
	_ =	strace $0x80000047  }
0xa: {  	s9 =	ssub.s32 $0x2, s8;
	s16 =	sshll.u32 s8, $0x15;
	s29 =	sshll.u32 s3, $0xF  }
0xb: {  	s14 =	sshll.u32 s3, $0xB;
	s30 =	sshll.u32 s3, $0x8;
	s10 =	sshrl.u32 s9, $0x1  }
0xc: {  	s31 =	sor.u32 s29, s16;
	s5 =	sadd.s32 s5, s30;
	s6 =	sadd.s32 s6, s30  }
0xd: {  	s8 =	sadd.s32 s29, s1;
	s17 =	sor.u32 $0x80000, s16;
	s19 =	sor.u32 $0x100000, s16  }
0xe: {  	s20 =	sor.u32 $0x180000, s16;
	s14 =	sor.u32 $0x80000, s14;
	v0 =	vmov s16;
	s16 =	simm.s32 $0x800  }
0xf: {  	s13 =	ssub.s32 s9, s10;
	s9 =	sshrl.u32 s31, $0x3;
	s11 =	sor.u32 s29, s17  }
0x10: {  	s15 =	sor.u32 s29, s19;
	s10 =	sor.u32 s29, s20;
	v1 =	vmov s17;
	s17 =	simm.s32 $0x2800  }
0x11: {  	v2 =	vmov s19;
	v3 =	vmov s20;
	s19 =	simm.s32 $0x1800;
	s20 =	simm.s32 $0xA800;
	s9 =	sadd.s32 s12, s9  }
0x12: {  	s11 =	sshrl.u32 s11, $0x3;
	s15 =	sshrl.u32 s15, $0x3;
	s18 =	sshrl.u32 s10, $0x3  }
0x13: {  	s13 =	smax.u32 s13, $0x1;
	s10 =	sadd.s32 s12, s11;
	s11 =	sadd.s32 s12, s15  }
0x14: {  	v4 =	vlaneseq.u32;
	s12 =	sadd.s32 s12, s18;
	s15 =	simm.s32 $0x1;
	s18 =	simm.s32 $0x2000  }
.LBB2_1:
0x15: {  	[tilespmem:s2], [sflag:$0x1] =	stream.linear.gather [hbm4b:s5+s2], $0x800, $0x38;
	[tilespmem:$0x1B000] =	vst v63  }
0x16: {  	_ =	swait.ge [sflag:s15], $0x800  }
0x17: {  	[sflag:s15] =	ssyncset.done $0x0  }
0x18: {  	[sflag:s15] =	ssyncadd.s32 $0xFFFFF800  }
0x19: {  	[tilespmem:s16], [sflag:$0x1] =	stream.linear.gather [hbm4b:s6+s2], $0x800, $0x38;
	[tilespmem:$0x1B000] =	vst v63  }
0x1a: {  	_ =	swait.ge [sflag:s15], $0x800  }
0x1b: {  	[sflag:s15] =	ssyncset.done $0x0  }
0x1c: {  	[sflag:s15] =	ssyncadd.s32 $0xFFFFF800  }
0x1d: {  	[tilespmem:s17], [sflag:$0x1] =	stream.linear.gather [hbm4b:s4+s2], $0x8000, $0x38;
	[tilespmem:$0x1B000] =	vst v63  }
0x1e: {  	_ =	swait.ge [sflag:s15], $0x8000  }
0x1f: {  	[sflag:s15] =	ssyncset.done $0x0  }
0x20: {  	[sflag:s15] =	ssyncadd.s32 $0xFFFF8000  }
0x21: {  	[tilespmem:s18], [sflag:$0x1] =	stream.linear.gather [hbm4b:s7+s2], $0x800, $0x38;
	[tilespmem:$0x1B000] =	vst v63  }
0x22: {  	_ =	swait.ge [sflag:s15], $0x800  }
0x23: {  	[sflag:s15] =	ssyncset.done $0x0  }
0x24: {  	s22 =	simm.s32 $0x0;
	[sflag:s15] =	ssyncadd.s32 $0xFFFFF800  }
0x25: {  	v5 =	vld [tilespmem:s22+$0x0]  }
0x26: {  	s23 =	simm.s32 $0x40;
	v6 =	vld [tilespmem:s22+$0x800]  }
.LBB2_2:
0x27: {  	p0 =	sne.s32 s23, $0x1FC0  }
.Ltmp0:
0x28: {  	_ = 	snop;
	(pc) =	sbr.rel @p0 .LBB2_2-.Ltmp0, $4  }
0x29: {  	_ = 	snop  }
0x2a: {  	s24 =	sshra.s32 s23, $0x2;
	s23 =	sadd.s32 $0x40, s23;
	v7 =	vshll.u32 v5, $0xB  }
0x2b: {  	v5 =	vld [tilespmem:s24+$0x0];
	v7 =	vadd.s32 v6, v7  }
0x2c: {  	v6 =	vld [tilespmem:s24+$0x800];
	[tilespmem:s22+$0x1000] =	vst v7;
	s22 =	smov.u32 s24  }
0x2d: {  	_ =	sdelay $0x2  }
0x2e: {  	v5 =	vshll.u32 v5, $0xB  }
0x2f: {  	v5 =	vadd.s32 v6, v5  }
0x30: {  	[tilespmem:s22+$0x1000] =	vst v5  }
0x31: {  	[spmem:s8] =	stream.linear.scatter [tilespmem:s17], [sflag:$0x1], $0x8000, $0x38;
	[tilespmem:$0x1B000] =	vst v63  }
0x32: {  	_ =	swait.ge [sflag:s15], $0x8000  }
0x33: {  	[sflag:s15] =	ssyncset.done $0x0  }
0x34: {  	[sflag:s15] =	ssyncadd.s32 $0xFFFF8000  }
0x35: {  	s22 =	simm.s32 $0x0;
	[bflag:$0x0] =	sbarrier.arrive $0xFFFF  }
0x36: {  	v5 =	vld [tilespmem:s22+$0x1000];
	_ =	sdelay $0x3  }
0x37: {  	s24 =	simm.s32 $0x40;
	s23 =	smov.u32 s14  }
.LBB2_4:
0x38: {  	s25 =	sshra.s32 s24, $0x2;
	p0 =	sne.s32 s24, $0x1FC0;
	s24 =	sadd.s32 $0x40, s24;
	v6 =	vsub.s32 v5, v0  }
.Ltmp1:
0x39: {  	v7 =	vor.u32 s23, v4;
	v5 =	vld [tilespmem:s25+$0x1000];
	vm0 =	vlt.u32 v6, $0x80000;
	(pc) =	sbr.rel @p0 .LBB2_4-.Ltmp1, $3  }
0x3a: {  	v6 =	vsel vm0, v6, v7  }
0x3b: {  	[tilespmem:s22+$0x1800] =	vst v6;
	s22 =	smov.u32 s25;
	_ =	sdelay $0x1  }
0x3c: {  	s23 =	sadd.s32 $0x10, s23  }
0x3d: {  	v5 =	vsub.s32 v5, v0  }
0x3e: {  	v6 =	vor.u32 s23, v4;
	vm0 =	vlt.u32 v5, $0x80000  }
0x3f: {  	v5 =	vsel vm0, v5, v6  }
0x40: {  	[tilespmem:s22+$0x1800] =	vst v5  }
0x41: {  	[spmem:s1] =	stream.indirect.scatter.add.f32 [tilespmem:s18], [sflag:$0x1], $0x1, s19, s16, $0xb8;
	[tilespmem:$0x1B000] =	vst v63  }
0x42: {  	_ =	swait.ge [sflag:s15], $0x800  }
0x43: {  	[sflag:s15] =	ssyncset.done $0x0  }
0x44: {  	[sflag:s15] =	ssyncadd.s32 $0xFFFFF800  }
0x45: {  	[bflag:$0x0] =	sbarrier.arrive $0xFFFF  }
0x46: {  	[tilespmem:s20], [sflag:$0x1] =	stream.linear.gather [spmem:s8], $0x8000, $0x38;
	[tilespmem:$0x1B000] =	vst v63  }
0x47: {  	_ =	swait.ge [sflag:s15], $0x8000  }
0x48: {  	[sflag:s15] =	ssyncset.done $0x0  }
0x49: {  	s31 =	simm.s32 $0x0;
	[sflag:s15] =	ssyncadd.s32 $0xFFFF8000  }
0x4a: {  	[hbm4b:s9+s31] =	stream.linear.scatter [tilespmem:s20], [sflag:$0x1], $0x8000, $0x38;
	[tilespmem:$0x1B000] =	vst v63  }
0x4b: {  	_ =	swait.ge [sflag:s15], $0x8000  }
0x4c: {  	[sflag:s15] =	ssyncset.done $0x0  }
0x4d: {  	[sflag:s15] =	ssyncadd.s32 $0xFFFF8000  }
0x4e: {  	[bflag:$0x0] =	sbarrier.arrive $0xFFFF  }
0x4f: {  	[spmem:s8] =	stream.linear.scatter [tilespmem:s17], [sflag:$0x1], $0x8000, $0x38;
	[tilespmem:$0x1B000] =	vst v63  }
0x50: {  	_ =	swait.ge [sflag:s15], $0x8000  }
0x51: {  	[sflag:s15] =	ssyncset.done $0x0  }
0x52: {  	[sflag:s15] =	ssyncadd.s32 $0xFFFF8000  }
0x53: {  	s22 =	simm.s32 $0x0;
	[bflag:$0x0] =	sbarrier.arrive $0xFFFF  }
0x54: {  	v5 =	vld [tilespmem:s22+$0x1000];
	_ =	sdelay $0x3  }
0x55: {  	s24 =	simm.s32 $0x40;
	s23 =	smov.u32 s14  }
.LBB2_6:
0x56: {  	s25 =	sshra.s32 s24, $0x2;
	p0 =	sne.s32 s24, $0x1FC0;
	s24 =	sadd.s32 $0x40, s24;
	v6 =	vsub.s32 v5, v1  }
.Ltmp2:
0x57: {  	v7 =	vor.u32 s23, v4;
	v5 =	vld [tilespmem:s25+$0x1000];
	vm0 =	vlt.u32 v6, $0x80000;
	(pc) =	sbr.rel @p0 .LBB2_6-.Ltmp2, $3  }
0x58: {  	v6 =	vsel vm0, v6, v7  }
0x59: {  	[tilespmem:s22+$0x1800] =	vst v6;
	s22 =	smov.u32 s25;
	_ =	sdelay $0x1  }
0x5a: {  	s23 =	sadd.s32 $0x10, s23  }
0x5b: {  	v5 =	vsub.s32 v5, v1  }
0x5c: {  	v6 =	vor.u32 s23, v4;
	vm0 =	vlt.u32 v5, $0x80000  }
0x5d: {  	v5 =	vsel vm0, v5, v6  }
0x5e: {  	[tilespmem:s22+$0x1800] =	vst v5  }
0x5f: {  	[spmem:s1] =	stream.indirect.scatter.add.f32 [tilespmem:s18], [sflag:$0x1], $0x1, s19, s16, $0xb8;
	[tilespmem:$0x1B000] =	vst v63  }
0x60: {  	_ =	swait.ge [sflag:s15], $0x800  }
0x61: {  	[sflag:s15] =	ssyncset.done $0x0  }
0x62: {  	[sflag:s15] =	ssyncadd.s32 $0xFFFFF800  }
0x63: {  	[bflag:$0x0] =	sbarrier.arrive $0xFFFF  }
0x64: {  	[tilespmem:s20], [sflag:$0x1] =	stream.linear.gather [spmem:s8], $0x8000, $0x38;
	[tilespmem:$0x1B000] =	vst v63  }
0x65: {  	_ =	swait.ge [sflag:s15], $0x8000  }
0x66: {  	[sflag:s15] =	ssyncset.done $0x0  }
0x67: {  	s31 =	simm.s32 $0x0;
	[sflag:s15] =	ssyncadd.s32 $0xFFFF8000  }
0x68: {  	[hbm4b:s10+s31] =	stream.linear.scatter [tilespmem:s20], [sflag:$0x1], $0x8000, $0x38;
	[tilespmem:$0x1B000] =	vst v63  }
0x69: {  	_ =	swait.ge [sflag:s15], $0x8000  }
0x6a: {  	[sflag:s15] =	ssyncset.done $0x0  }
0x6b: {  	[sflag:s15] =	ssyncadd.s32 $0xFFFF8000  }
0x6c: {  	[bflag:$0x0] =	sbarrier.arrive $0xFFFF  }
0x6d: {  	[spmem:s8] =	stream.linear.scatter [tilespmem:s17], [sflag:$0x1], $0x8000, $0x38;
	[tilespmem:$0x1B000] =	vst v63  }
0x6e: {  	_ =	swait.ge [sflag:s15], $0x8000  }
0x6f: {  	[sflag:s15] =	ssyncset.done $0x0  }
0x70: {  	[sflag:s15] =	ssyncadd.s32 $0xFFFF8000  }
0x71: {  	s22 =	simm.s32 $0x0;
	[bflag:$0x0] =	sbarrier.arrive $0xFFFF  }
0x72: {  	v5 =	vld [tilespmem:s22+$0x1000];
	_ =	sdelay $0x3  }
0x73: {  	s24 =	simm.s32 $0x40;
	s23 =	smov.u32 s14  }
.LBB2_8:
0x74: {  	s25 =	sshra.s32 s24, $0x2;
	p0 =	sne.s32 s24, $0x1FC0;
	s24 =	sadd.s32 $0x40, s24;
	v6 =	vsub.s32 v5, v2  }
.Ltmp3:
0x75: {  	v7 =	vor.u32 s23, v4;
	v5 =	vld [tilespmem:s25+$0x1000];
	vm0 =	vlt.u32 v6, $0x80000;
	(pc) =	sbr.rel @p0 .LBB2_8-.Ltmp3, $3  }
0x76: {  	v6 =	vsel vm0, v6, v7  }
0x77: {  	[tilespmem:s22+$0x1800] =	vst v6;
	s22 =	smov.u32 s25;
	_ =	sdelay $0x1  }
0x78: {  	s23 =	sadd.s32 $0x10, s23  }
0x79: {  	v5 =	vsub.s32 v5, v2  }
0x7a: {  	v6 =	vor.u32 s23, v4;
	vm0 =	vlt.u32 v5, $0x80000  }
0x7b: {  	v5 =	vsel vm0, v5, v6  }
0x7c: {  	[tilespmem:s22+$0x1800] =	vst v5  }
0x7d: {  	[spmem:s1] =	stream.indirect.scatter.add.f32 [tilespmem:s18], [sflag:$0x1], $0x1, s19, s16, $0xb8;
	[tilespmem:$0x1B000] =	vst v63  }
0x7e: {  	_ =	swait.ge [sflag:s15], $0x800  }
0x7f: {  	[sflag:s15] =	ssyncset.done $0x0  }
0x80: {  	[sflag:s15] =	ssyncadd.s32 $0xFFFFF800  }
0x81: {  	[bflag:$0x0] =	sbarrier.arrive $0xFFFF  }
0x82: {  	[tilespmem:s20], [sflag:$0x1] =	stream.linear.gather [spmem:s8], $0x8000, $0x38;
	[tilespmem:$0x1B000] =	vst v63  }
0x83: {  	_ =	swait.ge [sflag:s15], $0x8000  }
0x84: {  	[sflag:s15] =	ssyncset.done $0x0  }
0x85: {  	s31 =	simm.s32 $0x0;
	[sflag:s15] =	ssyncadd.s32 $0xFFFF8000  }
0x86: {  	[hbm4b:s11+s31] =	stream.linear.scatter [tilespmem:s20], [sflag:$0x1], $0x8000, $0x38;
	[tilespmem:$0x1B000] =	vst v63  }
0x87: {  	_ =	swait.ge [sflag:s15], $0x8000  }
0x88: {  	[sflag:s15] =	ssyncset.done $0x0  }
0x89: {  	[sflag:s15] =	ssyncadd.s32 $0xFFFF8000  }
0x8a: {  	[bflag:$0x0] =	sbarrier.arrive $0xFFFF  }
0x8b: {  	[spmem:s8] =	stream.linear.scatter [tilespmem:s17], [sflag:$0x1], $0x8000, $0x38;
	[tilespmem:$0x1B000] =	vst v63  }
0x8c: {  	_ =	swait.ge [sflag:s15], $0x8000  }
0x8d: {  	[sflag:s15] =	ssyncset.done $0x0  }
0x8e: {  	[sflag:s15] =	ssyncadd.s32 $0xFFFF8000  }
0x8f: {  	s22 =	simm.s32 $0x0;
	[bflag:$0x0] =	sbarrier.arrive $0xFFFF  }
0x90: {  	v5 =	vld [tilespmem:s22+$0x1000];
	_ =	sdelay $0x3  }
0x91: {  	s24 =	simm.s32 $0x40;
	s23 =	smov.u32 s14  }
.LBB2_10:
0x92: {  	s25 =	sshra.s32 s24, $0x2;
	p0 =	sne.s32 s24, $0x1FC0;
	s24 =	sadd.s32 $0x40, s24;
	v6 =	vsub.s32 v5, v3  }
.Ltmp4:
0x93: {  	v7 =	vor.u32 s23, v4;
	v5 =	vld [tilespmem:s25+$0x1000];
	vm0 =	vlt.u32 v6, $0x80000;
	(pc) =	sbr.rel @p0 .LBB2_10-.Ltmp4, $3  }
0x94: {  	v6 =	vsel vm0, v6, v7  }
0x95: {  	[tilespmem:s22+$0x1800] =	vst v6;
	s22 =	smov.u32 s25;
	_ =	sdelay $0x1  }
0x96: {  	s23 =	sadd.s32 $0x10, s23  }
0x97: {  	v5 =	vsub.s32 v5, v3  }
0x98: {  	v6 =	vor.u32 s23, v4;
	vm0 =	vlt.u32 v5, $0x80000  }
0x99: {  	v5 =	vsel vm0, v5, v6  }
0x9a: {  	[tilespmem:s22+$0x1800] =	vst v5  }
0x9b: {  	[spmem:s1] =	stream.indirect.scatter.add.f32 [tilespmem:s18], [sflag:$0x1], $0x1, s19, s16, $0xb8;
	[tilespmem:$0x1B000] =	vst v63  }
0x9c: {  	_ =	swait.ge [sflag:s15], $0x800  }
0x9d: {  	[sflag:s15] =	ssyncset.done $0x0  }
0x9e: {  	[sflag:s15] =	ssyncadd.s32 $0xFFFFF800  }
0x9f: {  	[bflag:$0x0] =	sbarrier.arrive $0xFFFF  }
0xa0: {  	[tilespmem:s20], [sflag:$0x1] =	stream.linear.gather [spmem:s8], $0x8000, $0x38;
	[tilespmem:$0x1B000] =	vst v63  }
0xa1: {  	_ =	swait.ge [sflag:s15], $0x8000  }
0xa2: {  	s21 =	sadd.s32 $0x1, s21;
	[sflag:s15] =	ssyncset.done $0x0  }
0xa3: {  	p0 =	sne.s32 s21, s13;
	[sflag:s15] =	ssyncadd.s32 $0xFFFF8000  }
0xa4: {  	[hbm4b:s12+s2] =	stream.linear.scatter [tilespmem:s20], [sflag:$0x1], $0x8000, $0x38;
	[tilespmem:$0x1B000] =	vst v63  }
.Ltmp5:
0xa5: {  	_ =	swait.ge [sflag:s15], $0x8000;
	(pc) =	sbr.rel @p0 .LBB2_1-.Ltmp5, $3  }
0xa6: {  	[sflag:s15] =	ssyncset.done $0x0  }
0xa7: {  	[sflag:s15] =	ssyncadd.s32 $0xFFFF8000  }
0xa8: {  	[bflag:$0x0] =	sbarrier.arrive $0xFFFF;
	_ =	sdelay $0x1  }
0xa9: {  	_ =	sfence.sel $0x180000  }
0xaa: {  	[bflag:$0x0] =	sbarrier.arrive $0xFFFF  }
0xab: {  	p0 =	sne.s32 s3, $0x0;
	_ =	strace $0x90000047  }
0xac: {  	s0 =	sadd.s32 @!p0 $0x100000, s0;
	[bflag:$0x2] =	sbarrier.arrive $0xFFFF  }
0xad: {  	[sflag:s0] =	ssyncadd.tile.s32 @!p0 $0x1;
	_ =	shalt  }
.Lfunc_end2:
_tile_overlayer_lowered:
.L_overlay_start_2:
0xae: {  	(tag) =	ssettag $0x2  }
0xaf: {  	s0 =	rddreg [dreg:$0x0];
	s2 =	stileid.u32  }
0xb0: {  	s1 =	rddreg [dreg:$0x1];
	p0 =	sne.s32 s2, $0x0  }
0xb1: {  	s3 =	rddreg [dreg:$0x2];
	[bflag:$0x3] =	sbarrier.arrive $0xFFFF;
	s2 =	simm.s32 @!p0 $0x1C01  }
0xb2: {  	[timem:s3], [sflag:s2] =	dma.local @!p0 [hbm:s0], s1  }
0xb3: {  	s0 =	simm.s32 @!p0 $0x1  }
0xb4: {  	_ =	swait.ge @!p0 [sflag:s0], s1  }
0xb5: {  	s1 =	ssub.s32 @!p0 $0x0, s1;
	[sflag:s0] =	ssyncset.done @!p0 $0x0  }
0xb6: {  	[sflag:s0] =	ssyncadd.s32 @!p0 s1  }
0xb7: {  	[bflag:$0x3] =	sbarrier.arrive $0xFFFF  }
0xb8: {  	_ =	shalt  }

</sc_bundles>
